<compile_context>
chip_gen: v7x
topology: tpu7x:2x2x1
jax: 0.10.2.dev20260603
libtpu: 0.0.44.dev20260713+nightly
codegen_flags: <defaults>
</compile_context>

<pallas_src>
import functools

import jax
import jax.numpy as jnp
from jax import lax
from jax.experimental import pallas as pl
from jax.experimental.pallas import tpu as pltpu
from jax.experimental.pallas import tpu_sc as plsc

_NW = 32
_NH = 32

_B = 16
_H = 512
_W = 512
_SC_B = 4
_TC_B = _B - _SC_B
_TC_BB = 2
_NWORK = 32
_LANES = 16
_CHUNK_ROWS = 32

_SC_ROWS = _SC_B * _H
_SC_ROW0 = _TC_B * _H
_ROWS_PER_W = _SC_ROWS // _NWORK
_NCHUNK = _ROWS_PER_W // _CHUNK_ROWS


def _sc_call(rel4d, init4d):
    mesh = plsc.VectorSubcoreMesh(core_axis_name="c", subcore_axis_name="s")

    @functools.partial(
        pl.kernel,
        mesh=mesh,
        compiler_params=pltpu.CompilerParams(
            needs_layout_passes=False, skip_device_barrier=True),
        out_type=jax.ShapeDtypeStruct((_SC_B, 1, _H, _W), jnp.int32),
        scratch_types=[
            pltpu.VMEM((9216,), jnp.int32),
            [pltpu.VMEM((_CHUNK_ROWS, _W), jnp.int32)] * 2,
            [pltpu.VMEM((_CHUNK_ROWS, _W), jnp.int32)] * 2,
            [pltpu.VMEM((_CHUNK_ROWS, _W), jnp.int32)] * 2,
            [pltpu.SemaphoreType.DMA] * 6,
        ],
    )
    def k(rel_hbm, init_hbm, out_hbm, lut_v, rel_b, init_b, out_b, sems):
        cid = lax.axis_index("c")
        sid = lax.axis_index("s")
        wid = sid * 2 + cid

        lanes = lax.iota(jnp.int32, _LANES)
        cmagic = jnp.full((_LANES,), 7282, jnp.int32)
        c3v = jnp.full((_LANES,), 3, jnp.int32)
        c9v = jnp.full((_LANES,), 9, jnp.int32)
        c11v = jnp.full((_LANES,), 11, jnp.int32)
        c1v = jnp.full((_LANES,), 1, jnp.int32)
        c0v = jnp.full((_LANES,), 0, jnp.int32)
        c5v = jnp.full((_LANES,), 5, jnp.int32)
        c16v = jnp.full((_LANES,), 16, jnp.int32)
        c31v = jnp.full((_LANES,), _NW - 1, jnp.int32)
        c32v = jnp.full((_LANES,), _NW, jnp.int32)

        @plsc.parallel_loop(0, 9216, step=_LANES, unroll=2)
        def lut_body(v):
            j = lax.add(lanes, lax.broadcast(v, (_LANES,)))
            iq = lax.shift_right_logical(lax.mul(j, cmagic), c16v)
            rv = lax.sub(j, lax.mul(iq, c9v))
            dr1 = lax.shift_right_logical(lax.mul(rv, c11v), c5v)
            dc1 = lax.sub(rv, lax.mul(dr1, c3v))
            ir = lax.shift_right_logical(iq, c5v)
            ic = lax.bitwise_and(iq, c31v)
            ar = lax.min(lax.max(lax.sub(lax.add(ir, dr1), c1v), c0v), c31v)
            ac = lax.min(lax.max(lax.sub(lax.add(ic, dc1), c1v), c0v), c31v)
            lut_v[pl.ds(v, _LANES)] = lax.add(lax.mul(ar, c32v), ac)

        row0 = wid * _ROWS_PER_W
        sh9s = jnp.int32(9)
        m511s = jnp.int32(_H - 1)

        c9 = jnp.full((_LANES,), 9, jnp.int32)
        sh9 = jnp.int32(9)
        m511 = jnp.int32(_W - 1)

        def hslice(ref, g, base_row):
            rg = base_row + g * _CHUNK_ROWS
            b = lax.shift_right_logical(rg, sh9s)
            rr = pl.multiple_of(lax.bitwise_and(rg, m511s), _CHUNK_ROWS)
            return ref.at[b, 0, pl.ds(rr, _CHUNK_ROWS), :]

        def start_in(g):
            bb = g % 2
            return (
                pltpu.async_copy(
                    hslice(rel_hbm, g, _SC_ROW0 + row0), rel_b[bb], sems[bb]),
                pltpu.async_copy(
                    hslice(init_hbm, g, _SC_ROW0 + row0), init_b[bb],
                    sems[2 + bb]),
            )

        in_copies = {}
        out_copies = {}
        in_copies[0] = start_in(0)
        for g in range(_NCHUNK):
            bb = g % 2
            if g + 1 < _NCHUNK:
                in_copies[g + 1] = start_in(g + 1)
            in_copies[g][0].wait()
            in_copies[g][1].wait()
            if g >= 2:
                out_copies[g - 2].wait()

            rel_v = rel_b[bb]
            init_v = init_b[bb]
            out_v = out_b[bb]

            @plsc.parallel_loop(0, _CHUNK_ROWS * _W, step=_LANES, unroll=4)
            def body(v):
                row = lax.shift_right_logical(v, sh9)
                col = lax.bitwise_and(v, m511)
                r = rel_v[row, pl.ds(col, _LANES)]
                i = init_v[row, pl.ds(col, _LANES)]
                idx = lax.add(lax.mul(i, c9), r)
                out_v[row, pl.ds(col, _LANES)] = plsc.load_gather(
                    lut_v, [idx])

            out_copies[g] = pltpu.async_copy(
                out_b[bb], hslice(out_hbm, g, row0), sems[4 + bb])

        for g in range(max(0, _NCHUNK - 2), _NCHUNK):
            out_copies[g].wait()

    return k(rel4d, init4d)


def _tc_body(rel_ref, init_ref, out_ref):
    r = rel_ref[...]
    i = init_ref[...]
    dr1 = jax.lax.shift_right_logical(r * 11, 5)
    dc1 = r - dr1 * 3
    ir = jax.lax.shift_right_logical(i, 5)
    ic = i & (_NW - 1)
    ar = jnp.minimum(jnp.maximum(ir + dr1 - 1, 0), _NH - 1)
    ac = jnp.minimum(jnp.maximum(ic + dc1 - 1, 0), _NW - 1)
    out_ref[...] = jax.lax.shift_left(ar, 5) + ac


def _tc_call(rel4d, init4d):
    spec = pl.BlockSpec((_TC_BB, 1, _H, _W), lambda b: (b, 0, 0, 0))
    return pl.pallas_call(
        _tc_body,
        grid=(_TC_B // _TC_BB,),
        in_specs=[spec, spec],
        out_specs=spec,
        out_shape=jax.ShapeDtypeStruct((_B, 1, _H, _W), jnp.int32),
        compiler_params=pltpu.CompilerParams(
            dimension_semantics=("parallel",)),
    )(rel4d, init4d)


def kernel(rel_idx_map, init_idx_map):
    rel = rel_idx_map.astype(jnp.int32)
    init = init_idx_map.astype(jnp.int32)
    tc_full = _tc_call(rel, init)
    sc_out = _sc_call(rel, init)
    out = lax.dynamic_update_slice(tc_full, sc_out, (_TC_B, 0, 0, 0))
    return out.astype(rel_idx_map.dtype)

# --- scband reference (transcript-rebuilt; emitter-appended) ---
"""Pipeline reference for scband-rel-to-abs-index-53145925321409 (READ-ONLY COPY).

The authoritative reference and input builder live on the scoring server;
editing this copy changes nothing except your own understanding.
"""

import jax, jax.numpy as jnp
import numpy as np

NW_SPIXELS = 32
NH_SPIXELS = 32


def setup_inputs(seed: int = 0) -> dict:
    key = jax.random.key(seed)
    k1, k2 = jax.random.split(key)
    # rel_idx_map: per-pixel relative superpixel index in a 3x3 neighborhood (0..8)
    rel_idx_map = jax.random.randint(k1, (16, 1, 512, 512), 0, 9, dtype=jnp.int64)
    # init_idx_map: per-pixel initial (grid) superpixel index in [0, nw*nh)
    init_idx_map = jax.random.randint(k2, (16, 1, 512, 512), 0, NW_SPIXELS * NH_SPIXELS, dtype=jnp.int64)
    return {"rel_idx_map": rel_idx_map, "init_idx_map": init_idx_map}


def reference(rel_idx_map, init_idx_map):
    # Faithful translation of rel_to_abs_index_cuda.forward (SSN superpixel indexing):
    # each pixel's relative index rel in [0,9) selects an offset (dr, dc) in a 3x3
    # neighborhood around its initial grid superpixel; the absolute superpixel index
    # is recomputed on the nw x nh superpixel grid with clamping at the borders.
    nw = NW_SPIXELS
    nh = NH_SPIXELS
    init_r = init_idx_map // nw
    init_c = init_idx_map % nw
    dr = rel_idx_map // 3 - 1
    dc = rel_idx_map % 3 - 1
    abs_r = jnp.clip(init_r + dr, 0, nh - 1)
    abs_c = jnp.clip(init_c + dc, 0, nw - 1)
    abs_idx_map = abs_r * nw + abs_c
    return abs_idx_map

if __name__ == "__main__":
    import jax
    _d = setup_inputs()
    print(jax.jit(kernel)(*tuple(_d.values())))

</pallas_src>

<mosaic_0001>
#map = affine_map<(d0, d1) -> (0, 0, 0, 0)>
module attributes {stable_mosaic.version = 14 : i64} {
  func.func @k(%arg0: i32, %arg1: i32, %arg2: memref<16x1x512x512xi32, #tpu.memory_space<hbm>>, %arg3: memref<16x1x512x512xi32, #tpu.memory_space<hbm>>, %arg4: memref<4x1x512x512xi32, #tpu.memory_space<hbm>>, %arg5: memref<9216xi32, #tpu.memory_space<vmem>>, %arg6: memref<32x512xi32, #tpu.memory_space<vmem>>, %arg7: memref<32x512xi32, #tpu.memory_space<vmem>>, %arg8: memref<32x512xi32, #tpu.memory_space<vmem>>, %arg9: memref<32x512xi32, #tpu.memory_space<vmem>>, %arg10: memref<32x512xi32, #tpu.memory_space<vmem>>, %arg11: memref<32x512xi32, #tpu.memory_space<vmem>>, %arg12: memref<!tpu.dma_semaphore, #tpu.memory_space<semaphore_mem>>, %arg13: memref<!tpu.dma_semaphore, #tpu.memory_space<semaphore_mem>>, %arg14: memref<!tpu.dma_semaphore, #tpu.memory_space<semaphore_mem>>, %arg15: memref<!tpu.dma_semaphore, #tpu.memory_space<semaphore_mem>>, %arg16: memref<!tpu.dma_semaphore, #tpu.memory_space<semaphore_mem>>, %arg17: memref<!tpu.dma_semaphore, #tpu.memory_space<semaphore_mem>>) attributes {dimension_semantics = [#tpu.dimension_semantics<core_parallel>, #tpu.dimension_semantics<subcore_parallel>], iteration_bounds = array<i64: 2, 16>, scalar_prefetch = 0 : i64, scratch_operands = 13 : i64, tpu.core_type = #tpu.core_type<sc_vector_subcore>, window_params = [{transform_indices = #map}, {transform_indices = #map}, {transform_indices = #map}]} {
    %mul3A = arith.constant 2 : i32
    %mul3A_0 = arith.muli %arg1, %mul3A : i32
    %add3A = arith.addi %mul3A_0, %arg0 : i32
    %iota3A = tpu.iota {dimensions = array<i32: 0>} : vector<16xi32>
    %broadcast_in_dim3A = arith.constant 7282 : i32
    %broadcast_in_dim3A_1 = vector.broadcast %broadcast_in_dim3A : i32 to vector<16xi32>
    %broadcast_in_dim3A_2 = arith.constant 3 : i32
    %broadcast_in_dim3A_3 = vector.broadcast %broadcast_in_dim3A_2 : i32 to vector<16xi32>
    %broadcast_in_dim3A_4 = arith.constant 9 : i32
    %broadcast_in_dim3A_5 = vector.broadcast %broadcast_in_dim3A_4 : i32 to vector<16xi32>
    %broadcast_in_dim3A_6 = arith.constant 11 : i32
    %broadcast_in_dim3A_7 = vector.broadcast %broadcast_in_dim3A_6 : i32 to vector<16xi32>
    %broadcast_in_dim3A_8 = arith.constant 1 : i32
    %broadcast_in_dim3A_9 = vector.broadcast %broadcast_in_dim3A_8 : i32 to vector<16xi32>
    %broadcast_in_dim3A_10 = arith.constant 0 : i32
    %broadcast_in_dim3A_11 = vector.broadcast %broadcast_in_dim3A_10 : i32 to vector<16xi32>
    %broadcast_in_dim3A_12 = arith.constant 5 : i32
    %broadcast_in_dim3A_13 = vector.broadcast %broadcast_in_dim3A_12 : i32 to vector<16xi32>
    %broadcast_in_dim3A_14 = arith.constant 16 : i32
    %broadcast_in_dim3A_15 = vector.broadcast %broadcast_in_dim3A_14 : i32 to vector<16xi32>
    %broadcast_in_dim3A_16 = arith.constant 31 : i32
    %broadcast_in_dim3A_17 = vector.broadcast %broadcast_in_dim3A_16 : i32 to vector<16xi32>
    %broadcast_in_dim3A_18 = arith.constant 32 : i32
    %broadcast_in_dim3A_19 = vector.broadcast %broadcast_in_dim3A_18 : i32 to vector<16xi32>
    %parallel_loop3A = arith.constant 0 : i32
    %parallel_loop3A_20 = arith.constant 9216 : i32
    %parallel_loop3A_21 = arith.constant 16 : i32
    scf.for %parallel_loop3A_165 = %parallel_loop3A to %parallel_loop3A_20 step %parallel_loop3A_21  : i32 {
      %parallel_loop3A_166 = vector.broadcast %parallel_loop3A_165 : i32 to vector<16xi32>
      %parallel_loop3A_167 = arith.addi %iota3A, %parallel_loop3A_166 : vector<16xi32>
      %parallel_loop3A_168 = arith.muli %parallel_loop3A_167, %broadcast_in_dim3A_1 : vector<16xi32>
      %parallel_loop3A_169 = arith.shrui %parallel_loop3A_168, %broadcast_in_dim3A_15 : vector<16xi32>
      %parallel_loop3A_170 = arith.muli %parallel_loop3A_169, %broadcast_in_dim3A_5 : vector<16xi32>
      %parallel_loop3A_171 = arith.subi %parallel_loop3A_167, %parallel_loop3A_170 : vector<16xi32>
      %parallel_loop3A_172 = arith.muli %parallel_loop3A_171, %broadcast_in_dim3A_7 : vector<16xi32>
      %parallel_loop3A_173 = arith.shrui %parallel_loop3A_172, %broadcast_in_dim3A_13 : vector<16xi32>
      %parallel_loop3A_174 = arith.muli %parallel_loop3A_173, %broadcast_in_dim3A_3 : vector<16xi32>
      %parallel_loop3A_175 = arith.subi %parallel_loop3A_171, %parallel_loop3A_174 : vector<16xi32>
      %parallel_loop3A_176 = arith.shrui %parallel_loop3A_169, %broadcast_in_dim3A_13 : vector<16xi32>
      %parallel_loop3A_177 = arith.andi %parallel_loop3A_169, %broadcast_in_dim3A_17 : vector<16xi32>
      %parallel_loop3A_178 = arith.addi %parallel_loop3A_176, %parallel_loop3A_173 : vector<16xi32>
      %parallel_loop3A_179 = arith.subi %parallel_loop3A_178, %broadcast_in_dim3A_9 : vector<16xi32>
      %parallel_loop3A_180 = arith.maxsi %parallel_loop3A_179, %broadcast_in_dim3A_11 : vector<16xi32>
      %parallel_loop3A_181 = arith.minsi %parallel_loop3A_180, %broadcast_in_dim3A_17 : vector<16xi32>
      %parallel_loop3A_182 = arith.addi %parallel_loop3A_177, %parallel_loop3A_175 : vector<16xi32>
      %parallel_loop3A_183 = arith.subi %parallel_loop3A_182, %broadcast_in_dim3A_9 : vector<16xi32>
      %parallel_loop3A_184 = arith.maxsi %parallel_loop3A_183, %broadcast_in_dim3A_11 : vector<16xi32>
      %parallel_loop3A_185 = arith.minsi %parallel_loop3A_184, %broadcast_in_dim3A_17 : vector<16xi32>
      %parallel_loop3A_186 = arith.muli %parallel_loop3A_181, %broadcast_in_dim3A_19 : vector<16xi32>
      %parallel_loop3A_187 = arith.addi %parallel_loop3A_186, %parallel_loop3A_185 : vector<16xi32>
      %parallel_loop3A_188 = arith.index_cast %parallel_loop3A_165 : i32 to index
      %parallel_loop3A_189 = tpu.vector_load %arg5[%parallel_loop3A_188] {strides = array<i32>} : memref<9216xi32, #tpu.memory_space<vmem>>, vector<16xi32>,
      tpu.vector_store %arg5[%parallel_loop3A_188], %parallel_loop3A_187 {strides = array<i32>} : memref<9216xi32, #tpu.memory_space<vmem>>, vector<16xi32>,
    } {sc.loop_unroll_factor = 2 : i64, sc.parallel_access}
    %mul3A_22 = arith.constant 64 : i32
    %mul3A_23 = arith.muli %add3A, %mul3A_22 : i32
    %broadcast_in_dim3A_24 = arith.constant 9 : i32
    %broadcast_in_dim3A_25 = vector.broadcast %broadcast_in_dim3A_24 : i32 to vector<16xi32>
    %add3A_26 = arith.constant 6144 : i32
    %add3A_27 = arith.addi %add3A_26, %mul3A_23 : i32
    %add3A_28 = arith.constant 0 : i32
    %add3A_29 = arith.addi %add3A_27, %add3A_28 : i32
    %shift_right_logical3A = arith.constant 9 : i32
    %shift_right_logical3A_30 = arith.shrui %add3A_29, %shift_right_logical3A : i32
    %and3A = arith.constant 511 : i32
    %and3A_31 = arith.andi %add3A_29, %and3A : i32
    %multiple_of3A = tpu.assume_multiple %and3A_31, 32 : i32
    %dma_start3A = arith.constant 0 : i32
    %dma_start3A_32 = arith.constant 0 : i32
    %dma_start3A_33 = tpu.memref_slice %arg2[%shift_right_logical3A_30, %dma_start3A, %multiple_of3A, %dma_start3A_32] : memref<16x1x512x512xi32, #tpu.memory_space<hbm>> -> memref<1x1x32x512xi32, #tpu.memory_space<hbm>>
    %dma_start3A_34 = tpu.memref_squeeze %dma_start3A_33 : memref<1x1x32x512xi32, #tpu.memory_space<hbm>> -> memref<32x512xi32, #tpu.memory_space<hbm>>
    %dma_start3A_35 = arith.constant 0 : i32
    %dma_start3A_36 = tpu.memref_slice %arg2[%shift_right_logical3A_30, %dma_start3A, %multiple_of3A, %dma_start3A_35] : memref<16x1x512x512xi32, #tpu.memory_space<hbm>> -> memref<1x1x32x512xi32, #tpu.memory_space<hbm>>
    %dma_start3A_37 = tpu.memref_squeeze %dma_start3A_36 : memref<1x1x32x512xi32, #tpu.memory_space<hbm>> -> memref<32x512xi32, #tpu.memory_space<hbm>>
    tpu.enqueue_dma source(%dma_start3A_37 : memref<32x512xi32, #tpu.memory_space<hbm>>) target(%arg6 : memref<32x512xi32, #tpu.memory_space<vmem>>) target_semaphore(%arg12 : memref<!tpu.dma_semaphore, #tpu.memory_space<semaphore_mem>>)
    %add3A_38 = arith.constant 6144 : i32
    %add3A_39 = arith.addi %add3A_38, %mul3A_23 : i32
    %add3A_40 = arith.constant 0 : i32
    %add3A_41 = arith.addi %add3A_39, %add3A_40 : i32
    %shift_right_logical3A_42 = arith.constant 9 : i32
    %shift_right_logical3A_43 = arith.shrui %add3A_41, %shift_right_logical3A_42 : i32
    %and3A_44 = arith.constant 511 : i32
    %and3A_45 = arith.andi %add3A_41, %and3A_44 : i32
    %multiple_of3A_46 = tpu.assume_multiple %and3A_45, 32 : i32
    %dma_start3A_47 = arith.constant 0 : i32
    %dma_start3A_48 = arith.constant 0 : i32
    %dma_start3A_49 = tpu.memref_slice %arg3[%shift_right_logical3A_43, %dma_start3A_47, %multiple_of3A_46, %dma_start3A_48] : memref<16x1x512x512xi32, #tpu.memory_space<hbm>> -> memref<1x1x32x512xi32, #tpu.memory_space<hbm>>
    %dma_start3A_50 = tpu.memref_squeeze %dma_start3A_49 : memref<1x1x32x512xi32, #tpu.memory_space<hbm>> -> memref<32x512xi32, #tpu.memory_space<hbm>>
    %dma_start3A_51 = arith.constant 0 : i32
    %dma_start3A_52 = tpu.memref_slice %arg3[%shift_right_logical3A_43, %dma_start3A_47, %multiple_of3A_46, %dma_start3A_51] : memref<16x1x512x512xi32, #tpu.memory_space<hbm>> -> memref<1x1x32x512xi32, #tpu.memory_space<hbm>>
    %dma_start3A_53 = tpu.memref_squeeze %dma_start3A_52 : memref<1x1x32x512xi32, #tpu.memory_space<hbm>> -> memref<32x512xi32, #tpu.memory_space<hbm>>
    tpu.enqueue_dma source(%dma_start3A_53 : memref<32x512xi32, #tpu.memory_space<hbm>>) target(%arg8 : memref<32x512xi32, #tpu.memory_space<vmem>>) target_semaphore(%arg14 : memref<!tpu.dma_semaphore, #tpu.memory_space<semaphore_mem>>)
    %add3A_54 = arith.constant 6144 : i32
    %add3A_55 = arith.addi %add3A_54, %mul3A_23 : i32
    %add3A_56 = arith.constant 32 : i32
    %add3A_57 = arith.addi %add3A_55, %add3A_56 : i32
    %shift_right_logical3A_58 = arith.constant 9 : i32
    %shift_right_logical3A_59 = arith.shrui %add3A_57, %shift_right_logical3A_58 : i32
    %and3A_60 = arith.constant 511 : i32
    %and3A_61 = arith.andi %add3A_57, %and3A_60 : i32
    %multiple_of3A_62 = tpu.assume_multiple %and3A_61, 32 : i32
    %dma_start3A_63 = arith.constant 0 : i32
    %dma_start3A_64 = arith.constant 0 : i32
    %dma_start3A_65 = tpu.memref_slice %arg2[%shift_right_logical3A_59, %dma_start3A_63, %multiple_of3A_62, %dma_start3A_64] : memref<16x1x512x512xi32, #tpu.memory_space<hbm>> -> memref<1x1x32x512xi32, #tpu.memory_space<hbm>>
    %dma_start3A_66 = tpu.memref_squeeze %dma_start3A_65 : memref<1x1x32x512xi32, #tpu.memory_space<hbm>> -> memref<32x512xi32, #tpu.memory_space<hbm>>
    %dma_start3A_67 = arith.constant 0 : i32
    %dma_start3A_68 = tpu.memref_slice %arg2[%shift_right_logical3A_59, %dma_start3A_63, %multiple_of3A_62, %dma_start3A_67] : memref<16x1x512x512xi32, #tpu.memory_space<hbm>> -> memref<1x1x32x512xi32, #tpu.memory_space<hbm>>
    %dma_start3A_69 = tpu.memref_squeeze %dma_start3A_68 : memref<1x1x32x512xi32, #tpu.memory_space<hbm>> -> memref<32x512xi32, #tpu.memory_space<hbm>>
    tpu.enqueue_dma source(%dma_start3A_69 : memref<32x512xi32, #tpu.memory_space<hbm>>) target(%arg7 : memref<32x512xi32, #tpu.memory_space<vmem>>) target_semaphore(%arg13 : memref<!tpu.dma_semaphore, #tpu.memory_space<semaphore_mem>>)
    %add3A_70 = arith.constant 6144 : i32
    %add3A_71 = arith.addi %add3A_70, %mul3A_23 : i32
    %add3A_72 = arith.constant 32 : i32
    %add3A_73 = arith.addi %add3A_71, %add3A_72 : i32
    %shift_right_logical3A_74 = arith.constant 9 : i32
    %shift_right_logical3A_75 = arith.shrui %add3A_73, %shift_right_logical3A_74 : i32
    %and3A_76 = arith.constant 511 : i32
    %and3A_77 = arith.andi %add3A_73, %and3A_76 : i32
    %multiple_of3A_78 = tpu.assume_multiple %and3A_77, 32 : i32
    %dma_start3A_79 = arith.constant 0 : i32
    %dma_start3A_80 = arith.constant 0 : i32
    %dma_start3A_81 = tpu.memref_slice %arg3[%shift_right_logical3A_75, %dma_start3A_79, %multiple_of3A_78, %dma_start3A_80] : memref<16x1x512x512xi32, #tpu.memory_space<hbm>> -> memref<1x1x32x512xi32, #tpu.memory_space<hbm>>
    %dma_start3A_82 = tpu.memref_squeeze %dma_start3A_81 : memref<1x1x32x512xi32, #tpu.memory_space<hbm>> -> memref<32x512xi32, #tpu.memory_space<hbm>>
    %dma_start3A_83 = arith.constant 0 : i32
    %dma_start3A_84 = tpu.memref_slice %arg3[%shift_right_logical3A_75, %dma_start3A_79, %multiple_of3A_78, %dma_start3A_83] : memref<16x1x512x512xi32, #tpu.memory_space<hbm>> -> memref<1x1x32x512xi32, #tpu.memory_space<hbm>>
    %dma_start3A_85 = tpu.memref_squeeze %dma_start3A_84 : memref<1x1x32x512xi32, #tpu.memory_space<hbm>> -> memref<32x512xi32, #tpu.memory_space<hbm>>
    tpu.enqueue_dma source(%dma_start3A_85 : memref<32x512xi32, #tpu.memory_space<hbm>>) target(%arg9 : memref<32x512xi32, #tpu.memory_space<vmem>>) target_semaphore(%arg15 : memref<!tpu.dma_semaphore, #tpu.memory_space<semaphore_mem>>)
    %dma_wait3A = arith.constant 0 : i32
    %dma_wait3A_86 = arith.constant 0 : i32
    %dma_wait3A_87 = tpu.memref_slice %arg2[%shift_right_logical3A_30, %dma_wait3A, %multiple_of3A, %dma_wait3A_86] : memref<16x1x512x512xi32, #tpu.memory_space<hbm>> -> memref<1x1x32x512xi32, #tpu.memory_space<hbm>>
    %dma_wait3A_88 = tpu.memref_squeeze %dma_wait3A_87 : memref<1x1x32x512xi32, #tpu.memory_space<hbm>> -> memref<32x512xi32, #tpu.memory_space<hbm>>
    %dma_wait3A_89 = arith.constant 0 : i32
    %dma_wait3A_90 = tpu.memref_slice %arg2[%shift_right_logical3A_30, %dma_wait3A, %multiple_of3A, %dma_wait3A_89] : memref<16x1x512x512xi32, #tpu.memory_space<hbm>> -> memref<1x1x32x512xi32, #tpu.memory_space<hbm>>
    %dma_wait3A_91 = tpu.memref_squeeze %dma_wait3A_90 : memref<1x1x32x512xi32, #tpu.memory_space<hbm>> -> memref<32x512xi32, #tpu.memory_space<hbm>>
    tpu.wait_dma2 semaphore(%arg12 : memref<!tpu.dma_semaphore, #tpu.memory_space<semaphore_mem>>) src(%dma_wait3A_91 : memref<32x512xi32, #tpu.memory_space<hbm>>) dst(%arg6 : memref<32x512xi32, #tpu.memory_space<vmem>>)
    %dma_wait3A_92 = arith.constant 0 : i32
    %dma_wait3A_93 = arith.constant 0 : i32
    %dma_wait3A_94 = tpu.memref_slice %arg3[%shift_right_logical3A_43, %dma_wait3A_92, %multiple_of3A_46, %dma_wait3A_93] : memref<16x1x512x512xi32, #tpu.memory_space<hbm>> -> memref<1x1x32x512xi32, #tpu.memory_space<hbm>>
    %dma_wait3A_95 = tpu.memref_squeeze %dma_wait3A_94 : memref<1x1x32x512xi32, #tpu.memory_space<hbm>> -> memref<32x512xi32, #tpu.memory_space<hbm>>
    %dma_wait3A_96 = arith.constant 0 : i32
    %dma_wait3A_97 = tpu.memref_slice %arg3[%shift_right_logical3A_43, %dma_wait3A_92, %multiple_of3A_46, %dma_wait3A_96] : memref<16x1x512x512xi32, #tpu.memory_space<hbm>> -> memref<1x1x32x512xi32, #tpu.memory_space<hbm>>
    %dma_wait3A_98 = tpu.memref_squeeze %dma_wait3A_97 : memref<1x1x32x512xi32, #tpu.memory_space<hbm>> -> memref<32x512xi32, #tpu.memory_space<hbm>>
    tpu.wait_dma2 semaphore(%arg14 : memref<!tpu.dma_semaphore, #tpu.memory_space<semaphore_mem>>) src(%dma_wait3A_98 : memref<32x512xi32, #tpu.memory_space<hbm>>) dst(%arg8 : memref<32x512xi32, #tpu.memory_space<vmem>>)
    %parallel_loop3A_99 = arith.constant 0 : i32
    %parallel_loop3A_100 = arith.constant 16384 : i32
    %parallel_loop3A_101 = arith.constant 16 : i32
    %parallel_loop3A_102 = arith.constant 9 : i32
    %parallel_loop3A_103 = arith.constant 511 : i32
    scf.for %parallel_loop3A_165 = %parallel_loop3A_99 to %parallel_loop3A_100 step %parallel_loop3A_101  : i32 {
      %parallel_loop3A_166 = arith.shrui %parallel_loop3A_165, %parallel_loop3A_102 : i32
      %parallel_loop3A_167 = arith.andi %parallel_loop3A_165, %parallel_loop3A_103 : i32
      %parallel_loop3A_168 = arith.index_cast %parallel_loop3A_166 : i32 to index
      %parallel_loop3A_169 = arith.index_cast %parallel_loop3A_167 : i32 to index
      %parallel_loop3A_170 = tpu.vector_load %arg6[%parallel_loop3A_168, %parallel_loop3A_169] {strides = array<i32>} : memref<32x512xi32, #tpu.memory_space<vmem>>, vector<16xi32>,
      %parallel_loop3A_171 = arith.index_cast %parallel_loop3A_166 : i32 to index
      %parallel_loop3A_172 = arith.index_cast %parallel_loop3A_167 : i32 to index
      %parallel_loop3A_173 = tpu.vector_load %arg8[%parallel_loop3A_171, %parallel_loop3A_172] {strides = array<i32>} : memref<32x512xi32, #tpu.memory_space<vmem>>, vector<16xi32>,
      %parallel_loop3A_174 = arith.muli %parallel_loop3A_173, %broadcast_in_dim3A_25 : vector<16xi32>
      %parallel_loop3A_175 = arith.addi %parallel_loop3A_174, %parallel_loop3A_170 : vector<16xi32>
      %parallel_loop3A_176 = tpu.vector_load_idx %arg5[%parallel_loop3A_175] : memref<9216xi32, #tpu.memory_space<vmem>>[vector<16xi32>], vector<16xi32>,
      %parallel_loop3A_177 = arith.index_cast %parallel_loop3A_166 : i32 to index
      %parallel_loop3A_178 = arith.index_cast %parallel_loop3A_167 : i32 to index
      %parallel_loop3A_179 = tpu.vector_load %arg10[%parallel_loop3A_177, %parallel_loop3A_178] {strides = array<i32>} : memref<32x512xi32, #tpu.memory_space<vmem>>, vector<16xi32>,
      tpu.vector_store %arg10[%parallel_loop3A_177, %parallel_loop3A_178], %parallel_loop3A_176 {strides = array<i32>} : memref<32x512xi32, #tpu.memory_space<vmem>>, vector<16xi32>,
    } {sc.loop_unroll_factor = 4 : i64, sc.parallel_access}
    %add3A_104 = arith.constant 0 : i32
    %add3A_105 = arith.addi %mul3A_23, %add3A_104 : i32
    %shift_right_logical3A_106 = arith.constant 9 : i32
    %shift_right_logical3A_107 = arith.shrui %add3A_105, %shift_right_logical3A_106 : i32
    %and3A_108 = arith.constant 511 : i32
    %and3A_109 = arith.andi %add3A_105, %and3A_108 : i32
    %multiple_of3A_110 = tpu.assume_multiple %and3A_109, 32 : i32
    %dma_start3A_111 = arith.constant 0 : i32
    %dma_start3A_112 = arith.constant 0 : i32
    %dma_start3A_113 = tpu.memref_slice %arg4[%shift_right_logical3A_107, %dma_start3A_111, %multiple_of3A_110, %dma_start3A_112] : memref<4x1x512x512xi32, #tpu.memory_space<hbm>> -> memref<1x1x32x512xi32, #tpu.memory_space<hbm>>
    %dma_start3A_114 = tpu.memref_squeeze %dma_start3A_113 : memref<1x1x32x512xi32, #tpu.memory_space<hbm>> -> memref<32x512xi32, #tpu.memory_space<hbm>>
    %dma_start3A_115 = arith.constant 0 : i32
    %dma_start3A_116 = tpu.memref_slice %arg4[%shift_right_logical3A_107, %dma_start3A_111, %multiple_of3A_110, %dma_start3A_115] : memref<4x1x512x512xi32, #tpu.memory_space<hbm>> -> memref<1x1x32x512xi32, #tpu.memory_space<hbm>>
    %dma_start3A_117 = tpu.memref_squeeze %dma_start3A_116 : memref<1x1x32x512xi32, #tpu.memory_space<hbm>> -> memref<32x512xi32, #tpu.memory_space<hbm>>
    tpu.enqueue_dma source(%arg10 : memref<32x512xi32, #tpu.memory_space<vmem>>) target(%dma_start3A_117 : memref<32x512xi32, #tpu.memory_space<hbm>>) target_semaphore(%arg16 : memref<!tpu.dma_semaphore, #tpu.memory_space<semaphore_mem>>)
    %dma_wait3A_118 = arith.constant 0 : i32
    %dma_wait3A_119 = arith.constant 0 : i32
    %dma_wait3A_120 = tpu.memref_slice %arg2[%shift_right_logical3A_59, %dma_wait3A_118, %multiple_of3A_62, %dma_wait3A_119] : memref<16x1x512x512xi32, #tpu.memory_space<hbm>> -> memref<1x1x32x512xi32, #tpu.memory_space<hbm>>
    %dma_wait3A_121 = tpu.memref_squeeze %dma_wait3A_120 : memref<1x1x32x512xi32, #tpu.memory_space<hbm>> -> memref<32x512xi32, #tpu.memory_space<hbm>>
    %dma_wait3A_122 = arith.constant 0 : i32
    %dma_wait3A_123 = tpu.memref_slice %arg2[%shift_right_logical3A_59, %dma_wait3A_118, %multiple_of3A_62, %dma_wait3A_122] : memref<16x1x512x512xi32, #tpu.memory_space<hbm>> -> memref<1x1x32x512xi32, #tpu.memory_space<hbm>>
    %dma_wait3A_124 = tpu.memref_squeeze %dma_wait3A_123 : memref<1x1x32x512xi32, #tpu.memory_space<hbm>> -> memref<32x512xi32, #tpu.memory_space<hbm>>
    tpu.wait_dma2 semaphore(%arg13 : memref<!tpu.dma_semaphore, #tpu.memory_space<semaphore_mem>>) src(%dma_wait3A_124 : memref<32x512xi32, #tpu.memory_space<hbm>>) dst(%arg7 : memref<32x512xi32, #tpu.memory_space<vmem>>)
    %dma_wait3A_125 = arith.constant 0 : i32
    %dma_wait3A_126 = arith.constant 0 : i32
    %dma_wait3A_127 = tpu.memref_slice %arg3[%shift_right_logical3A_75, %dma_wait3A_125, %multiple_of3A_78, %dma_wait3A_126] : memref<16x1x512x512xi32, #tpu.memory_space<hbm>> -> memref<1x1x32x512xi32, #tpu.memory_space<hbm>>
    %dma_wait3A_128 = tpu.memref_squeeze %dma_wait3A_127 : memref<1x1x32x512xi32, #tpu.memory_space<hbm>> -> memref<32x512xi32, #tpu.memory_space<hbm>>
    %dma_wait3A_129 = arith.constant 0 : i32
    %dma_wait3A_130 = tpu.memref_slice %arg3[%shift_right_logical3A_75, %dma_wait3A_125, %multiple_of3A_78, %dma_wait3A_129] : memref<16x1x512x512xi32, #tpu.memory_space<hbm>> -> memref<1x1x32x512xi32, #tpu.memory_space<hbm>>
    %dma_wait3A_131 = tpu.memref_squeeze %dma_wait3A_130 : memref<1x1x32x512xi32, #tpu.memory_space<hbm>> -> memref<32x512xi32, #tpu.memory_space<hbm>>
    tpu.wait_dma2 semaphore(%arg15 : memref<!tpu.dma_semaphore, #tpu.memory_space<semaphore_mem>>) src(%dma_wait3A_131 : memref<32x512xi32, #tpu.memory_space<hbm>>) dst(%arg9 : memref<32x512xi32, #tpu.memory_space<vmem>>)
    %parallel_loop3A_132 = arith.constant 0 : i32
    %parallel_loop3A_133 = arith.constant 16384 : i32
    %parallel_loop3A_134 = arith.constant 16 : i32
    %parallel_loop3A_135 = arith.constant 9 : i32
    %parallel_loop3A_136 = arith.constant 511 : i32
    scf.for %parallel_loop3A_165 = %parallel_loop3A_132 to %parallel_loop3A_133 step %parallel_loop3A_134  : i32 {
      %parallel_loop3A_166 = arith.shrui %parallel_loop3A_165, %parallel_loop3A_135 : i32
      %parallel_loop3A_167 = arith.andi %parallel_loop3A_165, %parallel_loop3A_136 : i32
      %parallel_loop3A_168 = arith.index_cast %parallel_loop3A_166 : i32 to index
      %parallel_loop3A_169 = arith.index_cast %parallel_loop3A_167 : i32 to index
      %parallel_loop3A_170 = tpu.vector_load %arg7[%parallel_loop3A_168, %parallel_loop3A_169] {strides = array<i32>} : memref<32x512xi32, #tpu.memory_space<vmem>>, vector<16xi32>,
      %parallel_loop3A_171 = arith.index_cast %parallel_loop3A_166 : i32 to index
      %parallel_loop3A_172 = arith.index_cast %parallel_loop3A_167 : i32 to index
      %parallel_loop3A_173 = tpu.vector_load %arg9[%parallel_loop3A_171, %parallel_loop3A_172] {strides = array<i32>} : memref<32x512xi32, #tpu.memory_space<vmem>>, vector<16xi32>,
      %parallel_loop3A_174 = arith.muli %parallel_loop3A_173, %broadcast_in_dim3A_25 : vector<16xi32>
      %parallel_loop3A_175 = arith.addi %parallel_loop3A_174, %parallel_loop3A_170 : vector<16xi32>
      %parallel_loop3A_176 = tpu.vector_load_idx %arg5[%parallel_loop3A_175] : memref<9216xi32, #tpu.memory_space<vmem>>[vector<16xi32>], vector<16xi32>,
      %parallel_loop3A_177 = arith.index_cast %parallel_loop3A_166 : i32 to index
      %parallel_loop3A_178 = arith.index_cast %parallel_loop3A_167 : i32 to index
      %parallel_loop3A_179 = tpu.vector_load %arg11[%parallel_loop3A_177, %parallel_loop3A_178] {strides = array<i32>} : memref<32x512xi32, #tpu.memory_space<vmem>>, vector<16xi32>,
      tpu.vector_store %arg11[%parallel_loop3A_177, %parallel_loop3A_178], %parallel_loop3A_176 {strides = array<i32>} : memref<32x512xi32, #tpu.memory_space<vmem>>, vector<16xi32>,
    } {sc.loop_unroll_factor = 4 : i64, sc.parallel_access}
    %add3A_137 = arith.constant 32 : i32
    %add3A_138 = arith.addi %mul3A_23, %add3A_137 : i32
    %shift_right_logical3A_139 = arith.constant 9 : i32
    %shift_right_logical3A_140 = arith.shrui %add3A_138, %shift_right_logical3A_139 : i32
    %and3A_141 = arith.constant 511 : i32
    %and3A_142 = arith.andi %add3A_138, %and3A_141 : i32
    %multiple_of3A_143 = tpu.assume_multiple %and3A_142, 32 : i32
    %dma_start3A_144 = arith.constant 0 : i32
    %dma_start3A_145 = arith.constant 0 : i32
    %dma_start3A_146 = tpu.memref_slice %arg4[%shift_right_logical3A_140, %dma_start3A_144, %multiple_of3A_143, %dma_start3A_145] : memref<4x1x512x512xi32, #tpu.memory_space<hbm>> -> memref<1x1x32x512xi32, #tpu.memory_space<hbm>>
    %dma_start3A_147 = tpu.memref_squeeze %dma_start3A_146 : memref<1x1x32x512xi32, #tpu.memory_space<hbm>> -> memref<32x512xi32, #tpu.memory_space<hbm>>
    %dma_start3A_148 = arith.constant 0 : i32
    %dma_start3A_149 = tpu.memref_slice %arg4[%shift_right_logical3A_140, %dma_start3A_144, %multiple_of3A_143, %dma_start3A_148] : memref<4x1x512x512xi32, #tpu.memory_space<hbm>> -> memref<1x1x32x512xi32, #tpu.memory_space<hbm>>
    %dma_start3A_150 = tpu.memref_squeeze %dma_start3A_149 : memref<1x1x32x512xi32, #tpu.memory_space<hbm>> -> memref<32x512xi32, #tpu.memory_space<hbm>>
    tpu.enqueue_dma source(%arg11 : memref<32x512xi32, #tpu.memory_space<vmem>>) target(%dma_start3A_150 : memref<32x512xi32, #tpu.memory_space<hbm>>) target_semaphore(%arg17 : memref<!tpu.dma_semaphore, #tpu.memory_space<semaphore_mem>>)
    %dma_wait3A_151 = arith.constant 0 : i32
    %dma_wait3A_152 = arith.constant 0 : i32
    %dma_wait3A_153 = tpu.memref_slice %arg4[%shift_right_logical3A_107, %dma_wait3A_151, %multiple_of3A_110, %dma_wait3A_152] : memref<4x1x512x512xi32, #tpu.memory_space<hbm>> -> memref<1x1x32x512xi32, #tpu.memory_space<hbm>>
    %dma_wait3A_154 = tpu.memref_squeeze %dma_wait3A_153 : memref<1x1x32x512xi32, #tpu.memory_space<hbm>> -> memref<32x512xi32, #tpu.memory_space<hbm>>
    %dma_wait3A_155 = arith.constant 0 : i32
    %dma_wait3A_156 = tpu.memref_slice %arg4[%shift_right_logical3A_107, %dma_wait3A_151, %multiple_of3A_110, %dma_wait3A_155] : memref<4x1x512x512xi32, #tpu.memory_space<hbm>> -> memref<1x1x32x512xi32, #tpu.memory_space<hbm>>
    %dma_wait3A_157 = tpu.memref_squeeze %dma_wait3A_156 : memref<1x1x32x512xi32, #tpu.memory_space<hbm>> -> memref<32x512xi32, #tpu.memory_space<hbm>>
    tpu.wait_dma2 semaphore(%arg16 : memref<!tpu.dma_semaphore, #tpu.memory_space<semaphore_mem>>) src(%arg10 : memref<32x512xi32, #tpu.memory_space<vmem>>) dst(%dma_wait3A_157 : memref<32x512xi32, #tpu.memory_space<hbm>>)
    %dma_wait3A_158 = arith.constant 0 : i32
    %dma_wait3A_159 = arith.constant 0 : i32
    %dma_wait3A_160 = tpu.memref_slice %arg4[%shift_right_logical3A_140, %dma_wait3A_158, %multiple_of3A_143, %dma_wait3A_159] : memref<4x1x512x512xi32, #tpu.memory_space<hbm>> -> memref<1x1x32x512xi32, #tpu.memory_space<hbm>>
    %dma_wait3A_161 = tpu.memref_squeeze %dma_wait3A_160 : memref<1x1x32x512xi32, #tpu.memory_space<hbm>> -> memref<32x512xi32, #tpu.memory_space<hbm>>
    %dma_wait3A_162 = arith.constant 0 : i32
    %dma_wait3A_163 = tpu.memref_slice %arg4[%shift_right_logical3A_140, %dma_wait3A_158, %multiple_of3A_143, %dma_wait3A_162] : memref<4x1x512x512xi32, #tpu.memory_space<hbm>> -> memref<1x1x32x512xi32, #tpu.memory_space<hbm>>
    %dma_wait3A_164 = tpu.memref_squeeze %dma_wait3A_163 : memref<1x1x32x512xi32, #tpu.memory_space<hbm>> -> memref<32x512xi32, #tpu.memory_space<hbm>>
    tpu.wait_dma2 semaphore(%arg17 : memref<!tpu.dma_semaphore, #tpu.memory_space<semaphore_mem>>) src(%arg11 : memref<32x512xi32, #tpu.memory_space<vmem>>) dst(%dma_wait3A_164 : memref<32x512xi32, #tpu.memory_space<hbm>>)
    return
  }
}

module attributes {stable_mosaic.version = 14 : i64} {
  func.func @_tc_body(%arg0: i32, %arg1: memref<2x1x512x512xi32, #tpu.memory_space<vmem>>, %arg2: memref<2x1x512x512xi32, #tpu.memory_space<vmem>>, %arg3: memref<2x1x512x512xi32, #tpu.memory_space<vmem>>) attributes {dimension_semantics = [#tpu.dimension_semantics<parallel>], iteration_bounds = array<i64: 6>, scalar_prefetch = 0 : i64, scratch_operands = 0 : i64, tpu.core_type = #tpu.core_type<tc>, window_params = [{transform_indices = @transform_0, window_bounds = array<i64: 2, 1, 512, 512>}, {transform_indices = @transform_1, window_bounds = array<i64: 2, 1, 512, 512>}, {transform_indices = @transform_2, window_bounds = array<i64: 2, 1, 512, 512>}]} {
    %get3A = arith.constant 0 : index
    %get3A_0 = arith.constant 0 : index
    %get3A_1 = arith.constant 0 : index
    %get3A_2 = arith.constant 0 : index
    %get3A_3 = vector.load %arg1[%get3A, %get3A_0, %get3A_1, %get3A_2] : memref<2x1x512x512xi32, #tpu.memory_space<vmem>>, vector<2x1x512x512xi32>
    %get3A_4 = arith.constant 0 : index
    %get3A_5 = arith.constant 0 : index
    %get3A_6 = arith.constant 0 : index
    %get3A_7 = arith.constant 0 : index
    %get3A_8 = vector.load %arg2[%get3A_4, %get3A_5, %get3A_6, %get3A_7] : memref<2x1x512x512xi32, #tpu.memory_space<vmem>>, vector<2x1x512x512xi32>
    %mul3A = arith.constant 11 : i32
    %mul3A_9 = vector.broadcast %mul3A : i32 to vector<2x1x512x512xi32>
    %mul3A_10 = arith.muli %get3A_3, %mul3A_9 : vector<2x1x512x512xi32>
    %shift_right_logical3A = arith.constant 5 : i32
    %shift_right_logical3A_11 = vector.broadcast %shift_right_logical3A : i32 to vector<2x1x512x512xi32>
    %shift_right_logical3A_12 = arith.shrui %mul3A_10, %shift_right_logical3A_11 : vector<2x1x512x512xi32>
    %mul3A_13 = arith.constant 3 : i32
    %mul3A_14 = vector.broadcast %mul3A_13 : i32 to vector<2x1x512x512xi32>
    %mul3A_15 = arith.muli %shift_right_logical3A_12, %mul3A_14 : vector<2x1x512x512xi32>
    %sub3A = arith.subi %get3A_3, %mul3A_15 : vector<2x1x512x512xi32>
    %shift_right_logical3A_16 = arith.constant 5 : i32
    %shift_right_logical3A_17 = vector.broadcast %shift_right_logical3A_16 : i32 to vector<2x1x512x512xi32>
    %shift_right_logical3A_18 = arith.shrui %get3A_8, %shift_right_logical3A_17 : vector<2x1x512x512xi32>
    %and3A = arith.constant 31 : i32
    %and3A_19 = vector.broadcast %and3A : i32 to vector<2x1x512x512xi32>
    %and3A_20 = arith.andi %get3A_8, %and3A_19 : vector<2x1x512x512xi32>
    %add3A = arith.addi %shift_right_logical3A_18, %shift_right_logical3A_12 : vector<2x1x512x512xi32>
    %sub3A_21 = arith.constant 1 : i32
    %sub3A_22 = vector.broadcast %sub3A_21 : i32 to vector<2x1x512x512xi32>
    %sub3A_23 = arith.subi %add3A, %sub3A_22 : vector<2x1x512x512xi32>
    %max3A = arith.constant 0 : i32
    %max3A_24 = vector.broadcast %max3A : i32 to vector<2x1x512x512xi32>
    %max3A_25 = arith.maxsi %sub3A_23, %max3A_24 : vector<2x1x512x512xi32>
    %min3A = arith.constant 31 : i32
    %min3A_26 = vector.broadcast %min3A : i32 to vector<2x1x512x512xi32>
    %min3A_27 = arith.minsi %max3A_25, %min3A_26 : vector<2x1x512x512xi32>
    %add3A_28 = arith.addi %and3A_20, %sub3A : vector<2x1x512x512xi32>
    %sub3A_29 = arith.constant 1 : i32
    %sub3A_30 = vector.broadcast %sub3A_29 : i32 to vector<2x1x512x512xi32>
    %sub3A_31 = arith.subi %add3A_28, %sub3A_30 : vector<2x1x512x512xi32>
    %max3A_32 = arith.constant 0 : i32
    %max3A_33 = vector.broadcast %max3A_32 : i32 to vector<2x1x512x512xi32>
    %max3A_34 = arith.maxsi %sub3A_31, %max3A_33 : vector<2x1x512x512xi32>
    %min3A_35 = arith.constant 31 : i32
    %min3A_36 = vector.broadcast %min3A_35 : i32 to vector<2x1x512x512xi32>
    %min3A_37 = arith.minsi %max3A_34, %min3A_36 : vector<2x1x512x512xi32>
    %shift_left3A = arith.constant 5 : i32
    %shift_left3A_38 = vector.broadcast %shift_left3A : i32 to vector<2x1x512x512xi32>
    %shift_left3A_39 = arith.shli %min3A_27, %shift_left3A_38 : vector<2x1x512x512xi32>
    %add3A_40 = arith.addi %shift_left3A_39, %min3A_37 : vector<2x1x512x512xi32>
    %swap3A = arith.constant 0 : index
    %swap3A_41 = arith.constant 0 : index
    %swap3A_42 = arith.constant 0 : index
    %swap3A_43 = arith.constant 0 : index
    %swap3A_44 = vector.load %arg3[%swap3A, %swap3A_41, %swap3A_42, %swap3A_43] : memref<2x1x512x512xi32, #tpu.memory_space<vmem>>, vector<2x1x512x512xi32>
    tpu.vector_store %arg3[%swap3A, %swap3A_41, %swap3A_42, %swap3A_43], %add3A_40 {strides = array<i32>} : memref<2x1x512x512xi32, #tpu.memory_space<vmem>>, vector<2x1x512x512xi32>,
    return
  }
  func.func @transform_0(%arg0: i32) -> (i32, i32, i32, i32) {
    %c0_i32 = arith.constant 0 : i32
    %c0_i32_0 = arith.constant 0 : i32
    %c0_i32_1 = arith.constant 0 : i32
    %c0_i32_2 = arith.constant 0 : i32
    return %arg0, %c0_i32, %c0_i32_0, %c0_i32_1 : i32, i32, i32, i32
  }
  func.func @transform_1(%arg0: i32) -> (i32, i32, i32, i32) {
    %c0_i32 = arith.constant 0 : i32
    %c0_i32_0 = arith.constant 0 : i32
    %c0_i32_1 = arith.constant 0 : i32
    %c0_i32_2 = arith.constant 0 : i32
    return %arg0, %c0_i32, %c0_i32_0, %c0_i32_1 : i32, i32, i32, i32
  }
  func.func @transform_2(%arg0: i32) -> (i32, i32, i32, i32) {
    %c0_i32 = arith.constant 0 : i32
    %c0_i32_0 = arith.constant 0 : i32
    %c0_i32_1 = arith.constant 0 : i32
    %c0_i32_2 = arith.constant 0 : i32
    return %arg0, %c0_i32, %c0_i32_0, %c0_i32_1 : i32, i32, i32, i32
  }
}

</mosaic_0001>

<sc_bundles>
// kernel: kernel.4.cloned.1.call-start
scs
__scs_entry_jumppad:
0x0: {  	(pc) =	sbr.rel $0x88, $3  }
0x1: {  	(tag) =	ssettag $0x0;
	lr =	simm.s32 $0x1  }
0x2: {  	[smem:$0x3F9F] =	sst lr;
	_ =	strace $0xD0000000  }
0x3: {  	_ = 	snop  }
0x4: {  	_ = 	snop  }
0x5: {  	_ = 	snop  }
0x6: {  	_ = 	snop  }
0x7: {  	_ = 	snop  }
__scs_overlays_trampoline_lowered:
0x8: {  	[smem:$0x3FAE] =	sst s0  }
0x9: {  	[smem:$0x3FAF] =	sst s1  }
0xa: {  	[smem:$0x3FB0] =	sst s2  }
0xb: {  	[smem:$0x3FB1] =	sst s3  }
0xc: {  	[smem:$0x3FB2] =	sst s4  }
0xd: {  	[smem:$0x3FB3] =	sst s5  }
0xe: {  	[smem:$0x3FB4] =	sst s6  }
0xf: {  	[smem:$0x3FB5] =	sst s7  }
0x10: {  	[smem:$0x3FB6] =	sst s8  }
0x11: {  	[smem:$0x3FB7] =	sst s9;
	s0 =	simm.s32 @!p0 $0x0  }
0x12: {  	s1 =	sld [smem:$0x3F9D];
	s0 =	simm.s32 @p0 $0x1  }
0x13: {  	[smem:$0x3FB8] =	sst s0;
	s0 =	simm.s32 @!p1 $0x0  }
0x14: {  	s2 =	sld [smem:$0x3F9C];
	s0 =	simm.s32 @p1 $0x1  }
0x15: {  	[smem:$0x3FB9] =	sst s0;
	s0 =	simm.s32 @!p2 $0x0  }
0x16: {  	s3 =	sld [smem:$0x3FDB];
	s0 =	simm.s32 @p2 $0x1  }
0x17: {  	s4 =	simm.s32 $0x1BF5;
	[smem:$0x3FBB] =	sst s0  }
0x18: {  	s0 =	sld [smem:$0x3F9E];
	_ =	swait.ge [sflag:s4], $0x0  }
0x19: {  	s7 =	sld [smem:$0x3F9F]  }
0x1a: {  	s8 =	sadd.s32 $0xFFFFE003, lr  }
0x1b: {  	s9 =	sadd.s32 $0xFFFFFEF7, lr;
	s5 =	simm.s32 $0xFFFFFFFF;
	p2 =	slt.u32 s8, $0xFFFFF086  }
0x1c: {  	p1 =	slt.u32 s9, $0xF7A;
	s5 =	simm.s32 @!p2 $0x0  }
0x1d: {  	s5 =	simm.s32 @p1 $0x1;
	p0 =	seq.s32 s7, s2  }
0x1e: {  	s7 =	smul.u32 @!p0 $0xF7A, s2;
	p2 =	seq.s32 @!p0 s5, $0x0  }
0x1f: {  	s9 =	smul.u32 $0xF7A, s1;
	s8 =	simm.s32 @!p0 $0x1BF5;
	p2 =	por !p2, p0  }
0x20: {  	[sflag:s8] =	ssyncset.s32 @!p0 $0xFFFFF086;
	s6 =	sadd.s32 @!p0 s3, s7;
	s7 =	simm.s32 @!p0 $0x108  }
0x21: {  	s3 =	sadd.s32 s3, s9;
	s6 =	sadd.s32 @!p0 $0x88, s6;
	s7 =	simm.s32 @p2 $0x1082  }
0x22: {  	[simem:s7], [sflag:s8] =	dma.local @!p0 [hbm:s6], $0xF7A  }
0x23: {  	s9 =	sor.u32 $0xD0000000, s2;
	s6 =	simm.s32 $0x108;
	_ =	swait.ge @!p0 [sflag:s8], $0x0  }
0x24: {  	s3 =	sadd.s32 $0x88, s3;
	s6 =	simm.s32 @!p1 $0x1082;
	[sflag:s4] =	ssyncset.s32 $0xFFFFF086  }
0x25: {  	[simem:s6], [sflag:s4] =	dma.local [hbm:s3], $0xF7A  }
0x26: {  	[smem:$0x3F9F] =	sst s1;
	(tag) =	ssettag s2;
	_ =	strace s9  }
0x27: {  	s1 =	sld [smem:$0x3FAF]  }
0x28: {  	s2 =	sld [smem:$0x3FB0]  }
0x29: {  	s4 =	sld [smem:$0x3FB2]  }
0x2a: {  	p0 =	seq.s32 s5, $0x0;
	s5 =	sld [smem:$0x3FB3]  }
0x2b: {  	s6 =	sld [smem:$0x3FB4]  }
0x2c: {  	s7 =	sld [smem:$0x3FB5]  }
0x2d: {  	s3 =	simm.s32 $0x108;
	s8 =	sld [smem:$0x3FB6]  }
0x2e: {  	s3 =	simm.s32 @!p0 $0x1082;
	s9 =	sld [smem:$0x3FB7]  }
0x2f: {  	lr =	sadd.s32 s0, s3;
	s0 =	sld [smem:$0x3FAE]  }
0x30: {  	s3 =	sld [smem:$0x3FB1]  }
0x31: {  	[smem:$0x3FBA] =	sst s10  }
0x32: {  	s10 =	sld [smem:$0x3FB8];
	_ =	sdelay $0x3  }
0x33: {  	p0 =	seq.s32 s10, $0x1;
	s10 =	sld [smem:$0x3FBA];
	_ =	sdelay $0x3  }
0x34: {  	[smem:$0x3FBA] =	sst s10  }
0x35: {  	s10 =	sld [smem:$0x3FB9];
	_ =	sdelay $0x3  }
0x36: {  	p1 =	seq.s32 s10, $0x1;
	s10 =	sld [smem:$0x3FBA];
	_ =	sdelay $0x3  }
0x37: {  	[smem:$0x3FBA] =	sst s10  }
0x38: {  	s10 =	sld [smem:$0x3FBB]  }
0x39: {  	_ = 	snop;
	(pc) =	sbr.ind lr, $3  }
0x3a: {  	_ = 	snop  }
0x3b: {  	_ = 	snop  }
0x3c: {  	p2 =	seq.s32 s10, $0x1;
	s10 =	sld [smem:$0x3FBA]  }
0x3d: {  	_ =	shalt  }
0x3e: {  	_ =	shalt  }
0x3f: {  	_ =	shalt  }
0x40: {  	_ =	shalt  }
0x41: {  	_ =	shalt  }
0x42: {  	_ =	shalt  }
0x43: {  	_ =	shalt  }
0x44: {  	_ =	shalt  }
0x45: {  	_ =	shalt  }
0x46: {  	_ =	shalt  }
0x47: {  	_ =	shalt  }
0x48: {  	_ =	shalt  }
0x49: {  	_ =	shalt  }
0x4a: {  	_ =	shalt  }
0x4b: {  	_ =	shalt  }
0x4c: {  	_ =	shalt  }
0x4d: {  	_ =	shalt  }
0x4e: {  	_ =	shalt  }
0x4f: {  	_ =	shalt  }
0x50: {  	_ =	shalt  }
0x51: {  	_ =	shalt  }
0x52: {  	_ =	shalt  }
0x53: {  	_ =	shalt  }
0x54: {  	_ =	shalt  }
0x55: {  	_ =	shalt  }
0x56: {  	_ =	shalt  }
0x57: {  	_ =	shalt  }
0x58: {  	_ =	shalt  }
0x59: {  	_ =	shalt  }
0x5a: {  	_ =	shalt  }
0x5b: {  	_ =	shalt  }
0x5c: {  	_ =	shalt  }
0x5d: {  	_ =	shalt  }
0x5e: {  	_ =	shalt  }
0x5f: {  	_ =	shalt  }
0x60: {  	_ =	shalt  }
0x61: {  	_ =	shalt  }
0x62: {  	_ =	shalt  }
0x63: {  	_ =	shalt  }
0x64: {  	_ =	shalt  }
0x65: {  	_ =	shalt  }
0x66: {  	_ =	shalt  }
0x67: {  	_ =	shalt  }
0x68: {  	_ =	shalt  }
0x69: {  	_ =	shalt  }
0x6a: {  	_ =	shalt  }
0x6b: {  	_ =	shalt  }
0x6c: {  	_ =	shalt  }
0x6d: {  	_ =	shalt  }
0x6e: {  	_ =	shalt  }
0x6f: {  	_ =	shalt  }
0x70: {  	_ =	shalt  }
0x71: {  	_ =	shalt  }
0x72: {  	_ =	shalt  }
0x73: {  	_ =	shalt  }
0x74: {  	_ =	shalt  }
0x75: {  	_ =	shalt  }
0x76: {  	_ =	shalt  }
0x77: {  	_ =	shalt  }
0x78: {  	_ =	shalt  }
0x79: {  	_ =	shalt  }
0x7a: {  	_ =	shalt  }
0x7b: {  	_ =	shalt  }
0x7c: {  	_ =	shalt  }
0x7d: {  	_ =	shalt  }
0x7e: {  	_ =	shalt  }
0x7f: {  	_ =	shalt  }
0x80: {  	_ =	shalt  }
0x81: {  	_ =	shalt  }
0x82: {  	_ =	shalt  }
0x83: {  	_ =	shalt  }
0x84: {  	_ =	shalt  }
0x85: {  	_ =	shalt  }
0x86: {  	_ =	shalt  }
0x87: {  	_ =	shalt  }
.Lfunc_end0:
.L_simem_size_0:
called_computation_lowered:
.L_overlay_start_0:
0x88: {  	s2 =	sld [smem:$0x3FD9]  }
0x89: {  	s3 =	sld [smem:$0x3FFE];
	_ =	sdelay $0x1  }
0x8a: {  	s1 =	srdreg.scid  }
0x8b: {  	s0 =	sand.u32 $0x1, s1  }
0x8c: {  	s17 =	sshll.u32 s0, $0xA;
	s2 =	sadd.s32 s3, s2  }
0x8d: {  	s2 =	sadd.s32 s2, s17  }
0x8e: {  	[smem:$0x3FC6] =	sst s2  }
0x8f: {  	_ = 	snop  }
0x90: {  	s2 =	sld [smem:$0x3FC9]  }
0x91: {  	s18 =	sld [smem:$0x3FC8];
	(tm) =	ssettm $0x1  }
0x92: {  	s4 =	sld [smem:$0x3FFB];
	_ =	sdelay $0x3  }
0x93: {  	_ =	strace s4  }
0x94: {  	s4 =	sld [smem:$0x3FFC];
	_ =	sdelay $0x3  }
0x95: {  	_ =	strace s4  }
0x96: {  	s4 =	sld [smem:$0x3FFD];
	_ =	sdelay $0x3  }
0x97: {  	_ =	strace s4  }
0x98: {  	_ =	strace $0x8FFFFFFF  }
0x99: {  	s19 =	sld [smem:$0x3FDB];
	_ =	sdelay $0x1  }
0x9a: {  	s5 =	simm.s32 $_scs_section_size  }
0x9b: {  	s6 =	simm.s32 $_size__tile_overlayer_lowered;
	s7 =	simm.s32 $_tile_overlayer_lowered  }
0x9c: {  	s22 =	simm.s32 $0x1BFF;
	s21 =	sshll.u32 s7, $0x1;
	s4 =	sadd.s32 s5, s19  }
0x9d: {  	s8 =	simm.s32 $0x0;
	s20 =	sshll.u32 s6, $0x1;
	s6 =	sadd.s32 s21, s4  }
0x9e: {  	[timem:s8], [sflag:s22] =	dma.local [hbm:s6], s20  }
0x9f: {  	_ =	swait.ge [sflag:s22], s20  }
0xa0: {  	s5 =	ssub.s32 $0x0, s20;
	[sflag:s22] =	ssyncset.done $0x0  }
0xa1: {  	[sflag:s22] =	ssyncadd.s32 s5;
	_ =	sdelay $0x1  }
0xa2: {  	s23 =	simm.s32 $0x1B8B  }
0xa3: {  	_ =	swait.ge [sflag:s23], $0x1  }
0xa4: {  	[sflag:s23] =	ssyncset.done $0x0  }
0xa5: {  	s25 =	simm.s32 $0x1B8E;
	s24 =	sld [smem:$0x3FFE];
	[sflag:s23] =	ssyncadd.s32 $0xFFFFFFFF  }
0xa6: {  	s26 =	simm.s32 $execute0_lowered;
	[smem:$0x3FD2] =	sst s25  }
0xa7: {  	s6 =	sshll.u32 s26, $0x1;
	_ =	strace $0x80000046;
	[dreg:$0x1] =	wrdreg $0xFFFFFFFF  }
0xa8: {  	s28 =	simm.s32 $_size_execute0_lowered;
	s4 =	sadd.s32 s4, s6;
	[dreg:$0x0] =	wrdreg $0x0  }
0xa9: {  	s6 =	sshll.u32 s28, $0x1;
	[dreg:$0x2] =	wrdreg s4  }
0xaa: {  	[dreg:$0x3] =	wrdreg s6  }
0xab: {  	[dreg:$0x4] =	wrdreg $0xC0  }
0xac: {  	_ =	task [dreg:s8], $0x5FFFF  }
0xad: {  	[dreg:$0x1] =	wrdreg $0xFFFFFFFF  }
0xae: {  	[dreg:$0x0] =	wrdreg $0x60  }
0xaf: {  	[dreg:$0x2] =	wrdreg s2  }
0xb0: {  	[dreg:$0x3] =	wrdreg s18  }
0xb1: {  	[dreg:$0x4] =	wrdreg s24  }
0xb2: {  	[dreg:$0x5] =	wrdreg $0x9  }
0xb3: {  	_ =	task.clear_ibuf [dreg:s8], $0x6FFFF;
	_ =	strace $0x90000046  }
0xb4: {  	s29 =	simm.s32 $0x9;
	_ =	strace $0x80000048  }
0xb5: {  	_ =	swait.ge [sflag:s29], $0x1  }
0xb6: {  	[sflag:s29] =	ssyncadd.s32 $0xFFFFFFFF  }
0xb7: {  	_ =	strace $0x90000048  }
0xb8: {  	_ =	sfence  }
0xb9: {  	s30 =	sld [smem:$0x0];
	_ =	sdelay $0x2  }
0xba: {  	s31 =	sshll.u32 s1, $0xD;
	s1 =	sshrl.u32 s1, $0x2  }
0xbb: {  	s3 =	sand.u32 $0x4000, s31;
	s1 =	sadd.s32 s1, s30  }
0xbc: {  	s0 =	sor.u32 s3, s0;
	s1 =	sshll.u32 s1, $0x11  }
0xbd: {  	s0 =	sor.u32 s1, s0  }
0xbe: {  	s0 =	sadd.s32 $0x8F2B, s0  }
0xbf: {  	[sflag:s0] =	ssyncadd.remote.s32 $0x1  }
0xc0: {  	_ =	sfence.sel $0xFFFF  }
0xc1: {  	[dreg:$0x0] =	wrdreg $0xFFFFFFFF;
	(pc) =	sbr.abs _section_cstart, $3  }
0xc2: {  	[dreg:$0x1] =	wrdreg $0xFFFFFFFF  }
0xc3: {  	_ =	task.clear_ibuf [dreg:s8], $0x2FFFF;
	_ =	strace $0x9FFFFFFF  }
0xc4: {  	(tm) =	ssettm $0x7FFFFFFF  }
0xc5: {  	_ =	shalt  }
tec
execute0_lowered:
.L_overlay_start_1:
0x0: {  	(tag) =	ssettag $0x1  }
0x1: {  	s5 =	rddreg [dreg:$0x0]  }
0x2: {  	s6 =	rddreg [dreg:$0x1]  }
0x3: {  	s3 =	rddreg [dreg:$0x2]  }
0x4: {  	s0 =	rddreg [dreg:$0x3];
	s2 =	simm.s32 $0x0;
	s4 =	srdreg.scid  }
0x5: {  	s1 =	stileid.u32;
	s11 =	simm.s32 $0xA400;
	s12 =	simm.s32 $0x6400  }
0x6: {  	s13 =	simm.s32 $0xE400;
	s14 =	simm.s32 $0x1;
	s15 =	simm.s32 $0x3  }
0x7: {  	s16 =	simm.s32 $0x12400;
	s17 =	simm.s32 $0x2;
	s18 =	simm.s32 $0x4  }
0x8: {  	s19 =	simm.s32 $0x16400;
	s20 =	simm.s32 $0x5;
	s21 =	simm.s32 $0x6  }
0x9: {  	s22 =	simm.s32 $0x0;
	[smem:$0x7FF] =	sst s2;
	s4 =	sand.u32 $0x1, s4  }
0xa: {  	s7 =	sshll.u32 s1, $0xD;
	s8 =	sshll.u32 s4, $0xC;
	s4 =	ssub.s32 $0x2, s4  }
0xb: {  	_ =	strace $0x80000047;
	s7 =	sor.u32 s8, s7;
	s30 =	sshrl.u32 s4, $0x1  }
0xc: {  	s9 =	sadd.s32 s7, s3;
	s10 =	ssub.s32 s4, s30;
	s31 =	sor.u32 $0x60000, s7  }
0xd: {  	s7 =	sor.u32 $0x60800, s7;
	s3 =	sadd.s32 s5, s31;
	s4 =	sadd.s32 s6, s31  }
0xe: {  	s5 =	sadd.s32 s5, s7;
	s6 =	sadd.s32 s6, s7;
	s7 =	sadd.s32 $0x600, s9  }
0xf: {  	v0 =	vlaneseq.u32;
	s8 =	sadd.s32 $0xE00, s9;
	s9 =	smax.u32 s10, $0x1;
	s10 =	simm.s32 $0x2400  }
.LBB2_1:
0x10: {  	v1 =	vor.u32 s2, v0;
	s23 =	simm.s32 $0x10  }
0x11: {  	v2 =	vmul.u32 $0x1C72, v1;
	v3 =	vor.u32 s23, v0  }
0x12: {  	v4 =	vmul.u32 $0x1C72, v3  }
0x13: {  	s29 =	simm.s32 $0x20;
	v5 =	vshrl.u32 v2, $0x10  }
0x14: {  	v8 =	vor.u32 s29, v0;
	v6 =	vmul.u32 $0xFFFFFFF7, v5;
	v7 =	vshrl.u32 v4, $0x10  }
0x15: {  	v10 =	vmul.u32 $0x1C72, v8;
	v9 =	vmul.u32 $0xFFFFFFF7, v7  }
0x16: {  	v2 =	vshrl.u32 v2, $0x15;
	v5 =	vand.u32 $0x1F, v5;
	v1 =	vadd.s32 v1, v6  }
0x17: {  	v4 =	vshrl.u32 v4, $0x15;
	v6 =	vmul.u32 $0xB, v1;
	v3 =	vadd.s32 v3, v9  }
0x18: {  	v7 =	vand.u32 $0x1F, v7;
	v9 =	vshrl.u32 v10, $0x10;
	v11 =	vmul.u32 $0xB, v3  }
0x19: {  	v1 =	vadd.s32 v1, v5;
	v10 =	vshrl.u32 v10, $0x15;
	v6 =	vshrl.u32 v6, $0x5  }
0x1a: {  	v12 =	vmul.u32 $0xFFFFFFF7, v9;
	v5 =	vmul.u32 $0xFFFFFFFD, v6;
	v11 =	vshrl.u32 v11, $0x5  }
0x1b: {  	v3 =	vadd.s32 v3, v7;
	v2 =	vadd.s32 v2, v6;
	v6 =	vmul.u32 $0xFFFFFFFD, v11  }
0x1c: {  	v8 =	vadd.s32 v8, v12;
	v2 =	vmax.u32 v2, $0x1;
	v1 =	vadd.s32 v5, v1  }
0x1d: {  	v4 =	vadd.s32 v4, v11;
	v1 =	vadd.s32 $0xFFFFFFFF, v1;
	v3 =	vadd.s32 v6, v3  }
0x1e: {  	s30 =	simm.s32 $0x30;
	v4 =	vmax.u32 v4, $0x1;
	vm0 =	vgt.s32 v1, $0x0;
	v3 =	vadd.s32 $0xFFFFFFFF, v3  }
0x1f: {  	v5 =	vor.u32 s30, v0;
	v1 =	vnsel vm0, $0x0, v1;
	vm0 =	vgt.s32 v3, $0x0  }
0x20: {  	v4 =	vmin.u32 v4, $0x20;
	v6 =	vmul.u32 $0x1C72, v5;
	v3 =	vnsel vm0, $0x0, v3  }
0x21: {  	v12 =	vmul.u32 $0xB, v8;
	v4 =	vshll.u32 v4, $0x5;
	v3 =	vmin.u32 v3, $0x1F  }
0x22: {  	v2 =	vmin.u32 v2, $0x20;
	v3 =	vor.u32 v3, v4;
	v4 =	vshrl.u32 v6, $0x10  }
0x23: {  	v12 =	vshrl.u32 v12, $0x5;
	v7 =	vadd.s32 $0xFFFFFFE0, v3;
	v3 =	vmul.u32 $0xFFFFFFF7, v4  }
0x24: {  	v2 =	vshll.u32 v2, $0x5;
	v13 =	vmul.u32 $0xFFFFFFFD, v12;
	v1 =	vmin.u32 v1, $0x1F  }
0x25: {  	s31 =	simm.s32 $0x40;
	v10 =	vadd.s32 v10, v12;
	v2 =	vor.u32 v1, v2;
	v5 =	vadd.s32 v5, v3  }
0x26: {  	v1 =	vor.u32 s31, v0;
	v3 =	vand.u32 $0x1F, v9;
	v9 =	vmul.u32 $0xB, v5  }
0x27: {  	v10 =	vmax.u32 v10, $0x1;
	v11 =	vadd.s32 $0xFFFFFFE0, v2;
	v2 =	vmul.u32 $0x1C72, v1  }
0x28: {  	v6 =	vshrl.u32 v6, $0x15;
	v4 =	vand.u32 $0x1F, v4;
	v9 =	vshrl.u32 v9, $0x5  }
0x29: {  	v8 =	vadd.s32 v8, v3;
	v3 =	vshrl.u32 v2, $0x10;
	v62 =	vmul.u32 $0xFFFFFFFD, v9  }
0x2a: {  	v63 =	vadd.s32 v5, v4;
	v5 =	vmin.u32 v10, $0x20;
	v8 =	vadd.s32 v13, v8  }
0x2b: {  	s23 =	simm.s32 $0x10;
	v4 =	vmul.u32 $0xFFFFFFF7, v3;
	v8 =	vadd.s32 $0xFFFFFFFF, v8;
	v10 =	vadd.s32 v62, v63  }
0x2c: {  	[tilespmem:s23+$0x0] =	vst v7;
	vm0 =	vgt.s32 v8, $0x0;
	v9 =	vadd.s32 v6, v9;
	v7 =	vadd.s32 $0xFFFFFFFF, v10  }
0x2d: {  	s25 =	simm.s32 $0x50;
	s24 =	simm.s32 $0x60;
	[tilespmem:s23+$0xFFFFFFF0] =	vst v11;
	v6 =	vnsel vm0, $0x0, v8;
	v8 =	vmax.u32 v9, $0x1;
	vm0 =	vgt.s32 v7, $0x0  }
.LBB2_2:
0x2e: {  	p0 =	slt.u32 s24, $0x23E0;
	v9 =	vor.u32 s25, v0;
	v8 =	vmin.u32 v8, $0x20;
	v7 =	vnsel vm0, $0x0, v7  }
0x2f: {  	v10 =	vmul.u32 $0x1C72, v9;
	v7 =	vmin.u32 v7, $0x1F;
	v8 =	vshll.u32 v8, $0x5  }
0x30: {  	v6 =	vmin.u32 v6, $0x1F;
	v5 =	vshll.u32 v5, $0x5;
	v7 =	vor.u32 v7, v8  }
0x31: {  	s23 =	sadd.s32 $0x20, s23;
	v5 =	vor.u32 v6, v5;
	v8 =	vshrl.u32 v10, $0x10;
	v6 =	vadd.s32 $0xFFFFFFE0, v7  }
0x32: {  	v5 =	vadd.s32 $0xFFFFFFE0, v5;
	v7 =	vor.u32 s24, v0;
	v11 =	vmul.u32 $0xFFFFFFF7, v8;
	[tilespmem:s23+$0x0] =	vst v6  }
0x33: {  	v12 =	vadd.s32 v1, v4;
	v6 =	vmul.u32 $0x1C72, v7;
	v1 =	vmov v7;
	[tilespmem:s23+$0xFFFFFFF0] =	vst v5  }
0x34: {  	v7 =	vshrl.u32 v2, $0x15;
	v5 =	vmul.u32 $0xB, v12;
	v9 =	vadd.s32 v9, v11  }
0x35: {  	v11 =	vand.u32 $0x1F, v3;
	v3 =	vshrl.u32 v6, $0x10;
	v2 =	vmovc v6;
	v13 =	vmul.u32 $0xB, v9  }
0x36: {  	v4 =	vmul.u32 $0xFFFFFFF7, v3;
	v5 =	vshrl.u32 v5, $0x5;
	v6 =	vadd.s32 v12, v11  }
0x37: {  	v11 =	vmul.u32 $0xFFFFFFFD, v5;
	v5 =	vadd.s32 v7, v5;
	v7 =	vshrl.u32 v13, $0x5  }
.Ltmp0:
0x38: {  	v8 =	vand.u32 $0x1F, v8;
	v5 =	vmax.u32 v5, $0x1;
	v12 =	vmul.u32 $0xFFFFFFFD, v7;
	(pc) =	sbr.rel @p0 .LBB2_2-.Ltmp0, $4  }
0x39: {  	v8 =	vadd.s32 v9, v8;
	v5 =	vmin.u32 v5, $0x20;
	v6 =	vadd.s32 v11, v6  }
0x3a: {  	v9 =	vshrl.u32 v10, $0x15;
	v6 =	vadd.s32 $0xFFFFFFFF, v6;
	v8 =	vadd.s32 v12, v8  }
0x3b: {  	v9 =	vadd.s32 v9, v7;
	vm0 =	vgt.s32 v6, $0x0;
	v7 =	vadd.s32 $0xFFFFFFFF, v8  }
0x3c: {  	s25 =	sadd.s32 $0x10, s24;
	s24 =	sadd.s32 $0x20, s24;
	v6 =	vnsel vm0, $0x0, v6;
	v8 =	vmax.u32 v9, $0x1;
	vm0 =	vgt.s32 v7, $0x0  }
0x3d: {  	v9 =	vor.u32 s25, v0  }
0x3e: {  	v8 =	vmin.u32 v8, $0x20;
	v10 =	vmul.u32 $0x1C72, v9  }
0x3f: {  	v7 =	vnsel vm0, $0x0, v7;
	v6 =	vmin.u32 v6, $0x1F;
	v5 =	vshll.u32 v5, $0x5  }
0x40: {  	v7 =	vmin.u32 v7, $0x1F;
	v8 =	vshll.u32 v8, $0x5;
	v11 =	vshrl.u32 v10, $0x10  }
0x41: {  	v1 =	vadd.s32 v1, v4;
	v7 =	vor.u32 v7, v8;
	v12 =	vmul.u32 $0xFFFFFFF7, v11  }
0x42: {  	v5 =	vor.u32 v6, v5;
	v6 =	vadd.s32 $0xFFFFFFE0, v7;
	v7 =	vmul.u32 $0xB, v1  }
0x43: {  	v2 =	vshrl.u32 v2, $0x15;
	v4 =	vadd.s32 v9, v12  }
0x44: {  	v3 =	vand.u32 $0x1F, v3;
	v7 =	vshrl.u32 v7, $0x5;
	v8 =	vmul.u32 $0xB, v4  }
0x45: {  	v5 =	vadd.s32 $0xFFFFFFE0, v5;
	v1 =	vadd.s32 v1, v3;
	v2 =	vadd.s32 v2, v7  }
0x46: {  	v9 =	vand.u32 $0x1F, v11;
	v7 =	vmul.u32 $0xFFFFFFFD, v7;
	v3 =	vshrl.u32 v8, $0x5  }
0x47: {  	v2 =	vmax.u32 v2, $0x1;
	v4 =	vadd.s32 v4, v9;
	v8 =	vmul.u32 $0xFFFFFFFD, v3  }
0x48: {  	v9 =	vshrl.u32 v10, $0x15;
	v2 =	vmin.u32 v2, $0x20;
	v1 =	vadd.s32 v7, v1  }
0x49: {  	v1 =	vadd.s32 $0xFFFFFFFF, v1;
	v2 =	vshll.u32 v2, $0x5;
	v4 =	vadd.s32 v8, v4  }
0x4a: {  	v3 =	vadd.s32 v9, v3;
	vm15 =	vgt.s32 v1, $0x0;
	v4 =	vadd.s32 $0xFFFFFFFF, v4  }
0x4b: {  	v3 =	vmax.u32 v3, $0x1;
	v1 =	vnsel vm15, $0x0, v1;
	vm14 =	vgt.s32 v4, $0x0  }
0x4c: {  	s23 =	sadd.s32 $0x20, s23;
	v3 =	vmin.u32 v3, $0x20;
	v1 =	vmin.u32 v1, $0x1F;
	v4 =	vnsel vm14, $0x0, v4  }
0x4d: {  	[tilespmem:s23+$0xFFFFFFF0] =	vst v5;
	v3 =	vshll.u32 v3, $0x5;
	v1 =	vor.u32 v1, v2;
	v4 =	vmin.u32 v4, $0x1F  }
0x4e: {  	[tilespmem:s23+$0x0] =	vst v6;
	s23 =	sadd.s32 $0x20, s23;
	v1 =	vadd.s32 $0xFFFFFFE0, v1;
	v3 =	vor.u32 v4, v3  }
0x4f: {  	[tilespmem:s23+$0xFFFFFFF0] =	vst v1;
	v2 =	vadd.s32 $0xFFFFFFE0, v3  }
0x50: {  	s31 =	simm.s32 $0x0;
	[tilespmem:s23+$0x0] =	vst v2  }
0x51: {  	[tilespmem:s10], [sflag:$0x1] =	stream.linear.gather [hbm4b:s3+s31], $0x4000, $0x38;
	[tilespmem:$0x1A400] =	vst v63  }
0x52: {  	_ = 	snop  }
0x53: {  	[tilespmem:s11], [sflag:$0x3] =	stream.linear.gather [hbm4b:s4+s31], $0x4000, $0x38;
	[tilespmem:$0x1A400] =	vst v63  }
0x54: {  	_ = 	snop  }
0x55: {  	[tilespmem:s12], [sflag:$0x2] =	stream.linear.gather [hbm4b:s5+s31], $0x4000, $0x38;
	[tilespmem:$0x1A400] =	vst v63  }
0x56: {  	_ = 	snop  }
0x57: {  	[tilespmem:s13], [sflag:$0x4] =	stream.linear.gather [hbm4b:s6+s31], $0x4000, $0x38;
	[tilespmem:$0x1A400] =	vst v63  }
0x58: {  	_ =	swait.ge [sflag:s14], $0x4000  }
0x59: {  	s24 =	simm.s32 $0x0;
	[sflag:s14] =	ssyncset.done $0x0  }
0x5a: {  	s29 =	sand.u32 $0x3000, s24;
	s26 =	sand.u32 $0xC00, s31;
	[sflag:s14] =	ssyncadd.s32 $0xFFFFC000  }
0x5b: {  	s25 =	sor.u32 s29, s26;
	s23 =	sand.u32 $0x380, s31;
	_ =	swait.ge [sflag:s15], $0x4000  }
0x5c: {  	s24 =	sand.u32 $0x40, s24;
	s23 =	sor.u32 s23, s25;
	[sflag:s15] =	ssyncset.done $0x0  }
0x5d: {  	s23 =	sor.u32 s24, s23;
	[sflag:s15] =	ssyncadd.s32 $0xFFFFC000  }
0x5e: {  	v1 =	vld [tilespmem:s23+$0xA430];
	_ =	sdelay $0x1  }
0x5f: {  	v2 =	vld [tilespmem:s23+$0x2430];
	_ =	sdelay $0x1  }
0x60: {  	v3 =	vld [tilespmem:s23+$0xA400]  }
0x61: {  	s26 =	simm.s32 $0x200;
	s25 =	simm.s32 $0x40;
	v5 =	vld [tilespmem:s23+$0xA410];
	v1 =	vmul.u32 $0x9, v1  }
0x62: {  	s28 =	simm.s32 $0x10;
	s29 =	sand.u32 $0xC00, s26;
	s30 =	sand.u32 $0x3000, s25;
	v6 =	vld [tilespmem:s23+$0xA420]  }
0x63: {  	s24 =	sor.u32 s30, s29;
	s31 =	sand.u32 $0x380, s28;
	v8 =	vld [tilespmem:s23+$0x2410];
	v1 =	vadd.s32 v2, v1  }
0x64: {  	s30 =	sand.u32 $0x40, s25;
	s24 =	sor.u32 s31, s24;
	v10 =	vld [tilespmem:s23+$0x2420]  }
0x65: {  	s24 =	sor.u32 s30, s24;
	v2 =	vld [tilespmem:s23+$0x2400]  }
0x66: {  	v11 =	vld [tilespmem:s24+$0xA430]  }
0x67: {  	v9 =	vld [tilespmem:s24+$0xA400]  }
0x68: {  	v4 =	vld.idx.msk [tilespmem:v1+s2+$0x0], $0xffff;
	v1 =	vmul.u32 $0x9, v3  }
0x69: {  	v7 =	vld [tilespmem:s24+$0x2430];
	v63 =	vmul.u32 $0x9, v5  }
0x6a: {  	v13 =	vmul.u32 $0x9, v6;
	v6 =	vld [tilespmem:s24+$0xA410];
	v3 =	vadd.s32 v2, v1  }
0x6b: {  	v5 =	vld [tilespmem:s24+$0xA420];
	v2 =	vadd.s32 v8, v63  }
0x6c: {  	v1 =	vadd.s32 v10, v13;
	v8 =	vld [tilespmem:s24+$0x2400];
	v10 =	vmul.u32 $0x9, v11  }
.LBB2_4:
0x6d: {  	s25 =	sadd.s32 $0x40, s25;
	v9 =	vmul.u32 $0x9, v9;
	v11 =	vld [tilespmem:s24+$0x2410];
	s26 =	sadd.s32 $0x200, s26;
	[tilespmem:s23+$0x12430] =	vst v4  }
0x6e: {  	s28 =	sadd.s32 $0x10, s28;
	s29 =	sand.u32 $0x3000, s25;
	s30 =	sand.u32 $0xC00, s26;
	v4 =	vld [tilespmem:s24+$0x2420];
	v7 =	vadd.s32 v7, v10  }
0x6f: {  	p0 =	slt.u32 s25, $0x3FC0;
	s29 =	sor.u32 s29, s30;
	s30 =	sand.u32 $0x380, s28;
	v6 =	vmul.u32 $0x9, v6;
	v10 =	vld.idx.msk [tilespmem:v3+s2+$0x0], $0xffff  }
0x70: {  	s31 =	sand.u32 $0x40, s25;
	s29 =	sor.u32 s30, s29;
	v5 =	vmul.u32 $0x9, v5;
	v12 =	vld.idx.msk [tilespmem:v2+s2+$0x0], $0xffff  }
0x71: {  	s29 =	sor.u32 s31, s29;
	v3 =	vadd.s32 v8, v9;
	v8 =	vld.idx.msk [tilespmem:v1+s2+$0x0], $0xffff  }
0x72: {  	v13 =	vld [tilespmem:s29+$0xA430];
	v2 =	vadd.s32 v11, v6  }
0x73: {  	v1 =	vadd.s32 v4, v5;
	v4 =	vld.idx.msk [tilespmem:v7+s2+$0x0], $0xffff  }
.Ltmp1:
0x74: {  	v9 =	vld [tilespmem:s29+$0xA400];
	(pc) =	sbr.rel @p0 .LBB2_4-.Ltmp1, $4  }
0x75: {  	v7 =	vld [tilespmem:s29+$0x2430];
	[tilespmem:s23+$0x12400] =	vst v10  }
0x76: {  	v6 =	vld [tilespmem:s29+$0xA410];
	[tilespmem:s23+$0x12410] =	vst v12  }
0x77: {  	v5 =	vld [tilespmem:s29+$0xA420];
	[tilespmem:s23+$0x12420] =	vst v8;
	s23 =	smov.u32 s24;
	s24 =	smov.u32 s29  }
0x78: {  	v10 =	vmul.u32 $0x9, v13;
	v8 =	vld [tilespmem:s24+$0x2400]  }
0x79: {  	v11 =	vld [tilespmem:s24+$0x2410]  }
0x7a: {  	v12 =	vld [tilespmem:s24+$0x2420]  }
0x7b: {  	v9 =	vmul.u32 $0x9, v9  }
0x7c: {  	v7 =	vadd.s32 v7, v10;
	v6 =	vmul.u32 $0x9, v6  }
0x7d: {  	v5 =	vmul.u32 $0x9, v5;
	v8 =	vadd.s32 v8, v9  }
0x7e: {  	v3 =	vld.idx.msk [tilespmem:v3+s2+$0x0], $0xffff;
	v6 =	vadd.s32 v11, v6  }
0x7f: {  	v2 =	vld.idx.msk [tilespmem:v2+s2+$0x0], $0xffff;
	v5 =	vadd.s32 v12, v5  }
0x80: {  	v1 =	vld.idx.msk [tilespmem:v1+s2+$0x0], $0xffff  }
0x81: {  	v7 =	vld.idx.msk [tilespmem:v7+s2+$0x0], $0xffff  }
0x82: {  	[tilespmem:s23+$0x12430] =	vst v4;
	v4 =	vld.idx.msk [tilespmem:v8+s2+$0x0], $0xffff  }
0x83: {  	[tilespmem:s23+$0x12400] =	vst v3;
	v3 =	vld.idx.msk [tilespmem:v6+s2+$0x0], $0xffff  }
0x84: {  	[tilespmem:s23+$0x12410] =	vst v2;
	v2 =	vld.idx.msk [tilespmem:v5+s2+$0x0], $0xffff  }
0x85: {  	[tilespmem:s23+$0x12420] =	vst v1  }
0x86: {  	[tilespmem:s24+$0x12430] =	vst v7  }
0x87: {  	[tilespmem:s24+$0x12400] =	vst v4  }
0x88: {  	[tilespmem:s24+$0x12410] =	vst v3  }
0x89: {  	[tilespmem:s24+$0x12420] =	vst v2;
	s24 =	simm.s32 $0x0  }
0x8a: {  	[hbm4b:s7+s24] =	stream.linear.scatter [tilespmem:s16], [sflag:$0x5], $0x4000, $0x38;
	[tilespmem:$0x1A400] =	vst v63  }
0x8b: {  	_ =	swait.ge [sflag:s17], $0x4000  }
0x8c: {  	s29 =	simm.s32 $0x0;
	[sflag:s17] =	ssyncset.done $0x0  }
0x8d: {  	s25 =	sand.u32 $0x3000, s29;
	s26 =	sand.u32 $0xC00, s24;
	[sflag:s17] =	ssyncadd.s32 $0xFFFFC000  }
0x8e: {  	s23 =	sand.u32 $0x380, s24;
	s25 =	sor.u32 s25, s26;
	_ =	swait.ge [sflag:s18], $0x4000  }
0x8f: {  	s24 =	sand.u32 $0x40, s29;
	s23 =	sor.u32 s23, s25;
	[sflag:s18] =	ssyncset.done $0x0  }
0x90: {  	s23 =	sor.u32 s24, s23;
	[sflag:s18] =	ssyncadd.s32 $0xFFFFC000  }
0x91: {  	v1 =	vld [tilespmem:s23+$0xE430];
	_ =	sdelay $0x1  }
0x92: {  	v2 =	vld [tilespmem:s23+$0x6430];
	_ =	sdelay $0x1  }
0x93: {  	v3 =	vld [tilespmem:s23+$0xE400]  }
0x94: {  	s26 =	simm.s32 $0x200;
	s25 =	simm.s32 $0x40;
	v5 =	vld [tilespmem:s23+$0xE410];
	v1 =	vmul.u32 $0x9, v1  }
0x95: {  	s28 =	simm.s32 $0x10;
	s29 =	sand.u32 $0xC00, s26;
	s30 =	sand.u32 $0x3000, s25;
	v6 =	vld [tilespmem:s23+$0xE420]  }
0x96: {  	s31 =	sand.u32 $0x380, s28;
	s24 =	sor.u32 s30, s29;
	v8 =	vld [tilespmem:s23+$0x6410];
	v1 =	vadd.s32 v2, v1  }
0x97: {  	s30 =	sand.u32 $0x40, s25;
	s24 =	sor.u32 s31, s24;
	v10 =	vld [tilespmem:s23+$0x6420]  }
0x98: {  	s24 =	sor.u32 s30, s24;
	v2 =	vld [tilespmem:s23+$0x6400]  }
0x99: {  	v11 =	vld [tilespmem:s24+$0xE430]  }
0x9a: {  	v9 =	vld [tilespmem:s24+$0xE400]  }
0x9b: {  	v4 =	vld.idx.msk [tilespmem:v1+s2+$0x0], $0xffff;
	v1 =	vmul.u32 $0x9, v3  }
0x9c: {  	v7 =	vld [tilespmem:s24+$0x6430];
	v63 =	vmul.u32 $0x9, v5  }
0x9d: {  	v13 =	vmul.u32 $0x9, v6;
	v6 =	vld [tilespmem:s24+$0xE410];
	v3 =	vadd.s32 v2, v1  }
0x9e: {  	v5 =	vld [tilespmem:s24+$0xE420];
	v2 =	vadd.s32 v8, v63  }
0x9f: {  	v1 =	vadd.s32 v10, v13;
	v8 =	vld [tilespmem:s24+$0x6400];
	v10 =	vmul.u32 $0x9, v11  }
.LBB2_6:
0xa0: {  	s25 =	sadd.s32 $0x40, s25;
	v9 =	vmul.u32 $0x9, v9;
	v11 =	vld [tilespmem:s24+$0x6410];
	s26 =	sadd.s32 $0x200, s26;
	[tilespmem:s23+$0x16430] =	vst v4  }
0xa1: {  	s28 =	sadd.s32 $0x10, s28;
	s29 =	sand.u32 $0x3000, s25;
	s30 =	sand.u32 $0xC00, s26;
	v4 =	vld [tilespmem:s24+$0x6420];
	v7 =	vadd.s32 v7, v10  }
0xa2: {  	p0 =	slt.u32 s25, $0x3FC0;
	s29 =	sor.u32 s29, s30;
	s30 =	sand.u32 $0x380, s28;
	v6 =	vmul.u32 $0x9, v6;
	v10 =	vld.idx.msk [tilespmem:v3+s2+$0x0], $0xffff  }
0xa3: {  	s31 =	sand.u32 $0x40, s25;
	s29 =	sor.u32 s30, s29;
	v5 =	vmul.u32 $0x9, v5;
	v12 =	vld.idx.msk [tilespmem:v2+s2+$0x0], $0xffff  }
0xa4: {  	s29 =	sor.u32 s31, s29;
	v3 =	vadd.s32 v8, v9;
	v8 =	vld.idx.msk [tilespmem:v1+s2+$0x0], $0xffff  }
0xa5: {  	v13 =	vld [tilespmem:s29+$0xE430];
	v2 =	vadd.s32 v11, v6  }
0xa6: {  	v1 =	vadd.s32 v4, v5;
	v4 =	vld.idx.msk [tilespmem:v7+s2+$0x0], $0xffff  }
.Ltmp2:
0xa7: {  	v9 =	vld [tilespmem:s29+$0xE400];
	(pc) =	sbr.rel @p0 .LBB2_6-.Ltmp2, $4  }
0xa8: {  	v7 =	vld [tilespmem:s29+$0x6430];
	[tilespmem:s23+$0x16400] =	vst v10  }
0xa9: {  	v6 =	vld [tilespmem:s29+$0xE410];
	[tilespmem:s23+$0x16410] =	vst v12  }
0xaa: {  	v5 =	vld [tilespmem:s29+$0xE420];
	[tilespmem:s23+$0x16420] =	vst v8;
	s23 =	smov.u32 s24;
	s24 =	smov.u32 s29  }
0xab: {  	v10 =	vmul.u32 $0x9, v13;
	v8 =	vld [tilespmem:s24+$0x6400]  }
0xac: {  	v11 =	vld [tilespmem:s24+$0x6410]  }
0xad: {  	v12 =	vld [tilespmem:s24+$0x6420]  }
0xae: {  	v9 =	vmul.u32 $0x9, v9  }
0xaf: {  	v7 =	vadd.s32 v7, v10;
	v6 =	vmul.u32 $0x9, v6  }
0xb0: {  	v5 =	vmul.u32 $0x9, v5;
	v8 =	vadd.s32 v8, v9  }
0xb1: {  	v3 =	vld.idx.msk [tilespmem:v3+s2+$0x0], $0xffff;
	v6 =	vadd.s32 v11, v6  }
0xb2: {  	v2 =	vld.idx.msk [tilespmem:v2+s2+$0x0], $0xffff;
	v5 =	vadd.s32 v12, v5  }
0xb3: {  	v1 =	vld.idx.msk [tilespmem:v1+s2+$0x0], $0xffff  }
0xb4: {  	v7 =	vld.idx.msk [tilespmem:v7+s2+$0x0], $0xffff  }
0xb5: {  	[tilespmem:s23+$0x16430] =	vst v4;
	v63 =	vld.idx.msk [tilespmem:v8+s2+$0x0], $0xffff  }
0xb6: {  	[tilespmem:s23+$0x16400] =	vst v3;
	v3 =	vld.idx.msk [tilespmem:v6+s2+$0x0], $0xffff  }
0xb7: {  	[tilespmem:s23+$0x16410] =	vst v2;
	v2 =	vld.idx.msk [tilespmem:v5+s2+$0x0], $0xffff  }
0xb8: {  	[tilespmem:s23+$0x16420] =	vst v1  }
0xb9: {  	[tilespmem:s24+$0x16430] =	vst v7  }
0xba: {  	[tilespmem:s24+$0x16400] =	vst v63  }
0xbb: {  	[tilespmem:s24+$0x16410] =	vst v3  }
0xbc: {  	s22 =	sadd.s32 $0x1, s22;
	[tilespmem:s24+$0x16420] =	vst v2  }
0xbd: {  	[hbm4b:s8+s2] =	stream.linear.scatter [tilespmem:s19], [sflag:$0x6], $0x4000, $0x38;
	[tilespmem:$0x1A400] =	vst v63  }
0xbe: {  	p0 =	sne.s32 s22, s9;
	_ =	swait.ge [sflag:s20], $0x4000  }
.Ltmp3:
0xbf: {  	[sflag:s20] =	ssyncset.done $0x0;
	(pc) =	sbr.rel @p0 .LBB2_1-.Ltmp3, $4  }
0xc0: {  	[sflag:s20] =	ssyncadd.s32 $0xFFFFC000  }
0xc1: {  	_ =	swait.ge [sflag:s21], $0x4000  }
0xc2: {  	[sflag:s21] =	ssyncset.done $0x0  }
0xc3: {  	[sflag:s21] =	ssyncadd.s32 $0xFFFFC000  }
0xc4: {  	_ =	sfence.sel $0x180000  }
0xc5: {  	[bflag:$0x0] =	sbarrier.arrive $0xFFFF  }
0xc6: {  	p0 =	sne.s32 s1, $0x0;
	_ =	strace $0x90000047  }
0xc7: {  	s0 =	sadd.s32 @!p0 $0x100000, s0;
	[bflag:$0x2] =	sbarrier.arrive $0xFFFF  }
0xc8: {  	[sflag:s0] =	ssyncadd.tile.s32 @!p0 $0x1;
	_ =	shalt  }
.Lfunc_end2:
_tile_overlayer_lowered:
.L_overlay_start_2:
0xc9: {  	(tag) =	ssettag $0x2  }
0xca: {  	s0 =	rddreg [dreg:$0x0];
	s2 =	stileid.u32  }
0xcb: {  	s1 =	rddreg [dreg:$0x1];
	p0 =	sne.s32 s2, $0x0  }
0xcc: {  	s3 =	rddreg [dreg:$0x2];
	[bflag:$0x3] =	sbarrier.arrive $0xFFFF;
	s2 =	simm.s32 @!p0 $0x1C07  }
0xcd: {  	[timem:s3], [sflag:s2] =	dma.local @!p0 [hbm:s0], s1  }
0xce: {  	s0 =	simm.s32 @!p0 $0x7  }
0xcf: {  	_ =	swait.ge @!p0 [sflag:s0], s1  }
0xd0: {  	s1 =	ssub.s32 @!p0 $0x0, s1;
	[sflag:s0] =	ssyncset.done @!p0 $0x0  }
0xd1: {  	[sflag:s0] =	ssyncadd.s32 @!p0 s1  }
0xd2: {  	[bflag:$0x3] =	sbarrier.arrive $0xFFFF  }
0xd3: {  	_ =	shalt  }

</sc_bundles>
